<compile_context>
chip_gen: v7x
topology: tpu7x:2x2x1
jax: 0.10.2.dev20260603
libtpu: 0.0.44.dev20260713+nightly
codegen_flags: <defaults>
</compile_context>

<pallas_src>
import functools

import jax
import jax.numpy as jnp
from jax import lax
from jax.experimental import pallas as pl
from jax.experimental.pallas import tpu as pltpu
from jax.experimental.pallas import tpu_sc as plsc

_D_IN = 8192
_D_F = 1024
_B = 4096
_B_SC = 2048
_B_TC = _B - _B_SC

_NC = 2
_NS = 16
_NW = _NC * _NS
_RPW = _B_SC // _NW
_L = 16
_GROUPS = _D_IN // _L
_RB = 4
_NBLK = _RPW // _RB

_mesh = plsc.VectorSubcoreMesh(core_axis_name="c", subcore_axis_name="s")


@functools.partial(
    pl.kernel,
    out_type=jax.ShapeDtypeStruct((_B_SC, _D_F), jnp.float32),
    mesh=_mesh,
    compiler_params=pltpu.CompilerParams(needs_layout_passes=False),
    scratch_types=(
        [pltpu.VMEM((_D_IN,), jnp.int32),
         pltpu.VMEM((_D_IN,), jnp.float32)]
        + [pltpu.VMEM((_D_IN,), jnp.float32) for _ in range(2 * _RB)]
        + [pltpu.VMEM((_D_F,), jnp.float32) for _ in range(2 * _RB)]
        + [pltpu.SemaphoreType.DMA for _ in range(4)]
    ),
)
def _sc_sketch(x_hbm, s_hbm, i_hbm, out_hbm, idx_v, sgn_v, *bufs):
    x_refs = (bufs[0:_RB], bufs[_RB:2 * _RB])
    acc_refs = (bufs[2 * _RB:3 * _RB], bufs[3 * _RB:4 * _RB])
    sem_x = bufs[4 * _RB:4 * _RB + 2]
    sem_o = bufs[4 * _RB + 2:4 * _RB + 4]
    wid = lax.axis_index("s") * _NC + lax.axis_index("c")
    base = wid * _RPW
    pltpu.sync_copy(i_hbm, idx_v)
    pltpu.sync_copy(s_hbm, sgn_v)

    def start_x(bi, s):
        row0 = base + bi * _RB
        for r in range(_RB):
            pltpu.async_copy(x_hbm.at[row0 + r], x_refs[s][r], sem_x[s])

    def wait_x(s):
        for r in range(_RB):
            pltpu.make_async_copy(x_hbm.at[base], x_refs[s][r], sem_x[s]).wait()

    def start_out(bi, s):
        row0 = base + bi * _RB
        for r in range(_RB):
            pltpu.async_copy(acc_refs[s][r], out_hbm.at[row0 + r], sem_o[s])

    def wait_out(s):
        for r in range(_RB):
            pltpu.make_async_copy(acc_refs[s][r], out_hbm.at[base], sem_o[s]).wait()

    start_x(0, 0)

    def pair_body(p, carry):
        for par in (0, 1):
            bi = p * 2 + par
            nbi = jnp.minimum(bi + 1, _NBLK - 1)
            start_x(nbi, 1 - par)

            @pl.when(bi >= 2)
            def _():
                wait_out(par)

            @plsc.parallel_loop(0, _D_F // _L, unroll=4)
            def zero_body(k):
                z = jnp.zeros((_L,), jnp.float32)
                for r in range(_RB):
                    acc_refs[par][r][pl.ds(k * _L, _L)] = z

            wait_x(par)

            @plsc.parallel_loop(0, _GROUPS, unroll=4)
            def scat_body(j):
                o = j * _L
                idx = idx_v[pl.ds(o, _L)]
                sgn = sgn_v[pl.ds(o, _L)]
                for r in range(_RB):
                    v = x_refs[par][r][pl.ds(o, _L)] * sgn
                    plsc.addupdate_scatter(acc_refs[par][r], [idx], v)
            start_out(bi, par)
        return carry

    lax.fori_loop(0, _NBLK // 2, pair_body, 0)
    wait_x(0)
    wait_out(0)
    wait_out(1)


_BM = 512
_BK = 512
_NKB = _D_IN // _BK
_ROW0_BLK = _B_SC // _BM


def _tc_body(i2d_ref, s2d_ref, x_ref, o_ref, s_cache):
    i = pl.program_id(0)
    k = pl.program_id(1)

    @pl.when(k == 0)
    def _():
        o_ref[...] = jnp.zeros_like(o_ref)

    @pl.when(i == 0)
    def _():
        ih = i2d_ref[pl.ds(k * _BK, _BK), :]
        sg = s2d_ref[pl.ds(k * _BK, _BK), :]
        iota = lax.broadcasted_iota(jnp.int32, (_BK, _D_F), 1)
        s_blk = jnp.where(iota == ih, sg, 0.0)
        s_cache[k] = s_blk.astype(jnp.bfloat16)

    o_ref[...] += jnp.dot(x_ref[...].astype(jnp.bfloat16), s_cache[k],
                          preferred_element_type=jnp.float32)


def _tc_sketch(x, s_hash, i_hash):
    return pl.pallas_call(
        _tc_body,
        grid=(_B_TC // _BM, _NKB),
        in_specs=[
            pl.BlockSpec((_D_IN, 1), lambda i, k: (0, 0)),
            pl.BlockSpec((_D_IN, 1), lambda i, k: (0, 0)),
            pl.BlockSpec((_BM, _BK), lambda i, k: (i + _ROW0_BLK, k)),
        ],
        out_specs=pl.BlockSpec((_BM, _D_F), lambda i, k: (i, 0)),
        out_shape=jax.ShapeDtypeStruct((_B_TC, _D_F), jnp.float32),
        scratch_shapes=[pltpu.VMEM((_NKB, _BK, _D_F), jnp.bfloat16)],
    )(i_hash.reshape(_D_IN, 1), s_hash.reshape(_D_IN, 1), x)


def kernel(x, s_hash, i_hash):
    i32 = i_hash.astype(jnp.int32)
    out_sc = _sc_sketch(x, s_hash, i32)
    out_tc = _tc_sketch(x, s_hash, i32)
    return jnp.concatenate([out_sc, out_tc], axis=0)

# --- scband reference (transcript-rebuilt; emitter-appended) ---
"""Pipeline reference for scband-count-sketch-1769526526742 (READ-ONLY COPY).

The authoritative reference and input builder live on the scoring server;
editing this copy changes nothing except your own understanding.
"""

import jax, jax.numpy as jnp
import numpy as np

D_IN = 8192
D_FEATURES = 1024
BATCH = 4096


def setup_inputs(seed: int = 0) -> dict:
    key = jax.random.key(seed)
    k1, k2, k3 = jax.random.split(key, 3)
    x = jax.random.normal(k1, (BATCH, D_IN), dtype=jnp.float32)
    # i_hash: hash bucket for each input dim, in [0, d_features)
    i_hash = jax.random.randint(k2, (D_IN,), 0, D_FEATURES)
    # s_hash: Rademacher signs (+1/-1)
    support = jnp.array([1.0, -1.0], dtype=jnp.float32)
    s_hash = support[jax.random.randint(k3, (D_IN,), 0, 2)]
    return {"x": x, "s_hash": s_hash, "i_hash": i_hash}


def reference(x, s_hash, i_hash):
    # CountSketch, sketch_type='scatter', real weights.
    original_shape = (*x.shape[:-1], D_FEATURES)
    x2 = x.reshape(-1, x.shape[-1])
    # output[b, i_hash[j]] += x[b, j] * s_hash[j]  (scatter-add along last dim)
    xs = x2 * s_hash
    out = jnp.zeros((x2.shape[0], D_FEATURES), dtype=jnp.float32)
    out = out.at[:, i_hash].add(xs)
    return out.reshape(original_shape)

if __name__ == "__main__":
    import jax
    _d = setup_inputs()
    print(jax.jit(kernel)(*tuple(_d.values())))

</pallas_src>

<mosaic_0001>
#map = affine_map<(d0, d1) -> (0, 0)>
#map1 = affine_map<(d0, d1) -> (0)>
module attributes {stable_mosaic.version = 14 : i64} {
  func.func @_sc_sketch(%arg0: i32, %arg1: i32, %arg2: memref<4096x8192xf32, #tpu.memory_space<hbm>>, %arg3: memref<8192xf32, #tpu.memory_space<hbm>>, %arg4: memref<8192xi32, #tpu.memory_space<hbm>>, %arg5: memref<2048x1024xf32, #tpu.memory_space<hbm>>, %arg6: memref<8192xi32, #tpu.memory_space<vmem>>, %arg7: memref<8192xf32, #tpu.memory_space<vmem>>, %arg8: memref<8192xf32, #tpu.memory_space<vmem>>, %arg9: memref<8192xf32, #tpu.memory_space<vmem>>, %arg10: memref<8192xf32, #tpu.memory_space<vmem>>, %arg11: memref<8192xf32, #tpu.memory_space<vmem>>, %arg12: memref<8192xf32, #tpu.memory_space<vmem>>, %arg13: memref<8192xf32, #tpu.memory_space<vmem>>, %arg14: memref<8192xf32, #tpu.memory_space<vmem>>, %arg15: memref<8192xf32, #tpu.memory_space<vmem>>, %arg16: memref<1024xf32, #tpu.memory_space<vmem>>, %arg17: memref<1024xf32, #tpu.memory_space<vmem>>, %arg18: memref<1024xf32, #tpu.memory_space<vmem>>, %arg19: memref<1024xf32, #tpu.memory_space<vmem>>, %arg20: memref<1024xf32, #tpu.memory_space<vmem>>, %arg21: memref<1024xf32, #tpu.memory_space<vmem>>, %arg22: memref<1024xf32, #tpu.memory_space<vmem>>, %arg23: memref<1024xf32, #tpu.memory_space<vmem>>, %arg24: memref<!tpu.dma_semaphore, #tpu.memory_space<semaphore_mem>>, %arg25: memref<!tpu.dma_semaphore, #tpu.memory_space<semaphore_mem>>, %arg26: memref<!tpu.dma_semaphore, #tpu.memory_space<semaphore_mem>>, %arg27: memref<!tpu.dma_semaphore, #tpu.memory_space<semaphore_mem>>) attributes {dimension_semantics = [#tpu.dimension_semantics<core_parallel>, #tpu.dimension_semantics<subcore_parallel>], iteration_bounds = array<i64: 2, 16>, scalar_prefetch = 0 : i64, scratch_operands = 22 : i64, tpu.core_type = #tpu.core_type<sc_vector_subcore>, window_params = [{transform_indices = #map}, {transform_indices = #map1}, {transform_indices = #map1}, {transform_indices = #map}]} {
    %mul3A = arith.constant 2 : i32
    %mul3A_0 = arith.muli %arg1, %mul3A : i32
    %add3A = arith.addi %mul3A_0, %arg0 : i32
    %mul3A_1 = arith.constant 64 : i32
    %mul3A_2 = arith.muli %add3A, %mul3A_1 : i32
    "tpu.region"() ({
      %run_scoped3A = tpu.sem_alloc : memref<!tpu.dma_semaphore, #tpu.memory_space<semaphore_mem>>
      tpu.enqueue_dma source(%arg4 : memref<8192xi32, #tpu.memory_space<hbm>>) target(%arg6 : memref<8192xi32, #tpu.memory_space<vmem>>) target_semaphore(%run_scoped3A : memref<!tpu.dma_semaphore, #tpu.memory_space<semaphore_mem>>)
      tpu.wait_dma2 semaphore(%run_scoped3A : memref<!tpu.dma_semaphore, #tpu.memory_space<semaphore_mem>>) src(%arg4 : memref<8192xi32, #tpu.memory_space<hbm>>) dst(%arg6 : memref<8192xi32, #tpu.memory_space<vmem>>)
      tpu.yield
    }) : () -> ()
    "tpu.region"() ({
      %run_scoped3A = tpu.sem_alloc : memref<!tpu.dma_semaphore, #tpu.memory_space<semaphore_mem>>
      tpu.enqueue_dma source(%arg3 : memref<8192xf32, #tpu.memory_space<hbm>>) target(%arg7 : memref<8192xf32, #tpu.memory_space<vmem>>) target_semaphore(%run_scoped3A : memref<!tpu.dma_semaphore, #tpu.memory_space<semaphore_mem>>)
      tpu.wait_dma2 semaphore(%run_scoped3A : memref<!tpu.dma_semaphore, #tpu.memory_space<semaphore_mem>>) src(%arg3 : memref<8192xf32, #tpu.memory_space<hbm>>) dst(%arg7 : memref<8192xf32, #tpu.memory_space<vmem>>)
      tpu.yield
    }) : () -> ()
    %add3A_3 = arith.constant 0 : i32
    %add3A_4 = arith.addi %mul3A_2, %add3A_3 : i32
    %add3A_5 = arith.constant 0 : i32
    %add3A_6 = arith.addi %add3A_4, %add3A_5 : i32
    %dma_start3A = arith.constant 0 : i32
    %dma_start3A_7 = tpu.memref_slice %arg2[%add3A_6, %dma_start3A] : memref<4096x8192xf32, #tpu.memory_space<hbm>> -> memref<1x8192xf32, #tpu.memory_space<hbm>>
    %dma_start3A_8 = tpu.memref_squeeze %dma_start3A_7 : memref<1x8192xf32, #tpu.memory_space<hbm>> -> memref<8192xf32, #tpu.memory_space<hbm>>
    %dma_start3A_9 = arith.constant 0 : i32
    %dma_start3A_10 = tpu.memref_slice %arg2[%add3A_6, %dma_start3A_9] : memref<4096x8192xf32, #tpu.memory_space<hbm>> -> memref<1x8192xf32, #tpu.memory_space<hbm>>
    %dma_start3A_11 = tpu.memref_squeeze %dma_start3A_10 : memref<1x8192xf32, #tpu.memory_space<hbm>> -> memref<8192xf32, #tpu.memory_space<hbm>>
    tpu.enqueue_dma source(%dma_start3A_11 : memref<8192xf32, #tpu.memory_space<hbm>>) target(%arg8 : memref<8192xf32, #tpu.memory_space<vmem>>) target_semaphore(%arg24 : memref<!tpu.dma_semaphore, #tpu.memory_space<semaphore_mem>>)
    %add3A_12 = arith.constant 1 : i32
    %add3A_13 = arith.addi %add3A_4, %add3A_12 : i32
    %dma_start3A_14 = arith.constant 0 : i32
    %dma_start3A_15 = tpu.memref_slice %arg2[%add3A_13, %dma_start3A_14] : memref<4096x8192xf32, #tpu.memory_space<hbm>> -> memref<1x8192xf32, #tpu.memory_space<hbm>>
    %dma_start3A_16 = tpu.memref_squeeze %dma_start3A_15 : memref<1x8192xf32, #tpu.memory_space<hbm>> -> memref<8192xf32, #tpu.memory_space<hbm>>
    %dma_start3A_17 = arith.constant 0 : i32
    %dma_start3A_18 = tpu.memref_slice %arg2[%add3A_13, %dma_start3A_17] : memref<4096x8192xf32, #tpu.memory_space<hbm>> -> memref<1x8192xf32, #tpu.memory_space<hbm>>
    %dma_start3A_19 = tpu.memref_squeeze %dma_start3A_18 : memref<1x8192xf32, #tpu.memory_space<hbm>> -> memref<8192xf32, #tpu.memory_space<hbm>>
    tpu.enqueue_dma source(%dma_start3A_19 : memref<8192xf32, #tpu.memory_space<hbm>>) target(%arg9 : memref<8192xf32, #tpu.memory_space<vmem>>) target_semaphore(%arg24 : memref<!tpu.dma_semaphore, #tpu.memory_space<semaphore_mem>>)
    %add3A_20 = arith.constant 2 : i32
    %add3A_21 = arith.addi %add3A_4, %add3A_20 : i32
    %dma_start3A_22 = arith.constant 0 : i32
    %dma_start3A_23 = tpu.memref_slice %arg2[%add3A_21, %dma_start3A_22] : memref<4096x8192xf32, #tpu.memory_space<hbm>> -> memref<1x8192xf32, #tpu.memory_space<hbm>>
    %dma_start3A_24 = tpu.memref_squeeze %dma_start3A_23 : memref<1x8192xf32, #tpu.memory_space<hbm>> -> memref<8192xf32, #tpu.memory_space<hbm>>
    %dma_start3A_25 = arith.constant 0 : i32
    %dma_start3A_26 = tpu.memref_slice %arg2[%add3A_21, %dma_start3A_25] : memref<4096x8192xf32, #tpu.memory_space<hbm>> -> memref<1x8192xf32, #tpu.memory_space<hbm>>
    %dma_start3A_27 = tpu.memref_squeeze %dma_start3A_26 : memref<1x8192xf32, #tpu.memory_space<hbm>> -> memref<8192xf32, #tpu.memory_space<hbm>>
    tpu.enqueue_dma source(%dma_start3A_27 : memref<8192xf32, #tpu.memory_space<hbm>>) target(%arg10 : memref<8192xf32, #tpu.memory_space<vmem>>) target_semaphore(%arg24 : memref<!tpu.dma_semaphore, #tpu.memory_space<semaphore_mem>>)
    %add3A_28 = arith.constant 3 : i32
    %add3A_29 = arith.addi %add3A_4, %add3A_28 : i32
    %dma_start3A_30 = arith.constant 0 : i32
    %dma_start3A_31 = tpu.memref_slice %arg2[%add3A_29, %dma_start3A_30] : memref<4096x8192xf32, #tpu.memory_space<hbm>> -> memref<1x8192xf32, #tpu.memory_space<hbm>>
    %dma_start3A_32 = tpu.memref_squeeze %dma_start3A_31 : memref<1x8192xf32, #tpu.memory_space<hbm>> -> memref<8192xf32, #tpu.memory_space<hbm>>
    %dma_start3A_33 = arith.constant 0 : i32
    %dma_start3A_34 = tpu.memref_slice %arg2[%add3A_29, %dma_start3A_33] : memref<4096x8192xf32, #tpu.memory_space<hbm>> -> memref<1x8192xf32, #tpu.memory_space<hbm>>
    %dma_start3A_35 = tpu.memref_squeeze %dma_start3A_34 : memref<1x8192xf32, #tpu.memory_space<hbm>> -> memref<8192xf32, #tpu.memory_space<hbm>>
    tpu.enqueue_dma source(%dma_start3A_35 : memref<8192xf32, #tpu.memory_space<hbm>>) target(%arg11 : memref<8192xf32, #tpu.memory_space<vmem>>) target_semaphore(%arg24 : memref<!tpu.dma_semaphore, #tpu.memory_space<semaphore_mem>>)
    %scan3A = arith.constant 0 : i32
    %scan3A_36 = arith.constant 0 : i32
    %scan3A_37 = arith.constant 8 : i32
    %scan3A_38 = arith.addi %scan3A_36, %scan3A_37 : i32
    %scan3A_39 = arith.constant 1 : i32
    scf.for %scan3A_112 = %scan3A_36 to %scan3A_38 step %scan3A_39  : i32 {
      %mul3A_113 = arith.constant 2 : i32
      %mul3A_114 = arith.muli %scan3A_112, %mul3A_113 : i32
      %add3A_115 = arith.constant 0 : i32
      %add3A_116 = arith.addi %mul3A_114, %add3A_115 : i32
      %add3A_117 = arith.constant 1 : i32
      %add3A_118 = arith.addi %add3A_116, %add3A_117 : i32
      %min3A = arith.constant 15 : i32
      %min3A_119 = arith.minsi %add3A_118, %min3A : i32
      %mul3A_120 = arith.constant 4 : i32
      %mul3A_121 = arith.muli %min3A_119, %mul3A_120 : i32
      %add3A_122 = arith.addi %mul3A_2, %mul3A_121 : i32
      %add3A_123 = arith.constant 0 : i32
      %add3A_124 = arith.addi %add3A_122, %add3A_123 : i32
      %dma_start3A_125 = arith.constant 0 : i32
      %dma_start3A_126 = tpu.memref_slice %arg2[%add3A_124, %dma_start3A_125] : memref<4096x8192xf32, #tpu.memory_space<hbm>> -> memref<1x8192xf32, #tpu.memory_space<hbm>>
      %dma_start3A_127 = tpu.memref_squeeze %dma_start3A_126 : memref<1x8192xf32, #tpu.memory_space<hbm>> -> memref<8192xf32, #tpu.memory_space<hbm>>
      %dma_start3A_128 = arith.constant 0 : i32
      %dma_start3A_129 = tpu.memref_slice %arg2[%add3A_124, %dma_start3A_128] : memref<4096x8192xf32, #tpu.memory_space<hbm>> -> memref<1x8192xf32, #tpu.memory_space<hbm>>
      %dma_start3A_130 = tpu.memref_squeeze %dma_start3A_129 : memref<1x8192xf32, #tpu.memory_space<hbm>> -> memref<8192xf32, #tpu.memory_space<hbm>>
      tpu.enqueue_dma source(%dma_start3A_130 : memref<8192xf32, #tpu.memory_space<hbm>>) target(%arg12 : memref<8192xf32, #tpu.memory_space<vmem>>) target_semaphore(%arg25 : memref<!tpu.dma_semaphore, #tpu.memory_space<semaphore_mem>>)
      %add3A_131 = arith.constant 1 : i32
      %add3A_132 = arith.addi %add3A_122, %add3A_131 : i32
      %dma_start3A_133 = arith.constant 0 : i32
      %dma_start3A_134 = tpu.memref_slice %arg2[%add3A_132, %dma_start3A_133] : memref<4096x8192xf32, #tpu.memory_space<hbm>> -> memref<1x8192xf32, #tpu.memory_space<hbm>>
      %dma_start3A_135 = tpu.memref_squeeze %dma_start3A_134 : memref<1x8192xf32, #tpu.memory_space<hbm>> -> memref<8192xf32, #tpu.memory_space<hbm>>
      %dma_start3A_136 = arith.constant 0 : i32
      %dma_start3A_137 = tpu.memref_slice %arg2[%add3A_132, %dma_start3A_136] : memref<4096x8192xf32, #tpu.memory_space<hbm>> -> memref<1x8192xf32, #tpu.memory_space<hbm>>
      %dma_start3A_138 = tpu.memref_squeeze %dma_start3A_137 : memref<1x8192xf32, #tpu.memory_space<hbm>> -> memref<8192xf32, #tpu.memory_space<hbm>>
      tpu.enqueue_dma source(%dma_start3A_138 : memref<8192xf32, #tpu.memory_space<hbm>>) target(%arg13 : memref<8192xf32, #tpu.memory_space<vmem>>) target_semaphore(%arg25 : memref<!tpu.dma_semaphore, #tpu.memory_space<semaphore_mem>>)
      %add3A_139 = arith.constant 2 : i32
      %add3A_140 = arith.addi %add3A_122, %add3A_139 : i32
      %dma_start3A_141 = arith.constant 0 : i32
      %dma_start3A_142 = tpu.memref_slice %arg2[%add3A_140, %dma_start3A_141] : memref<4096x8192xf32, #tpu.memory_space<hbm>> -> memref<1x8192xf32, #tpu.memory_space<hbm>>
      %dma_start3A_143 = tpu.memref_squeeze %dma_start3A_142 : memref<1x8192xf32, #tpu.memory_space<hbm>> -> memref<8192xf32, #tpu.memory_space<hbm>>
      %dma_start3A_144 = arith.constant 0 : i32
      %dma_start3A_145 = tpu.memref_slice %arg2[%add3A_140, %dma_start3A_144] : memref<4096x8192xf32, #tpu.memory_space<hbm>> -> memref<1x8192xf32, #tpu.memory_space<hbm>>
      %dma_start3A_146 = tpu.memref_squeeze %dma_start3A_145 : memref<1x8192xf32, #tpu.memory_space<hbm>> -> memref<8192xf32, #tpu.memory_space<hbm>>
      tpu.enqueue_dma source(%dma_start3A_146 : memref<8192xf32, #tpu.memory_space<hbm>>) target(%arg14 : memref<8192xf32, #tpu.memory_space<vmem>>) target_semaphore(%arg25 : memref<!tpu.dma_semaphore, #tpu.memory_space<semaphore_mem>>)
      %add3A_147 = arith.constant 3 : i32
      %add3A_148 = arith.addi %add3A_122, %add3A_147 : i32
      %dma_start3A_149 = arith.constant 0 : i32
      %dma_start3A_150 = tpu.memref_slice %arg2[%add3A_148, %dma_start3A_149] : memref<4096x8192xf32, #tpu.memory_space<hbm>> -> memref<1x8192xf32, #tpu.memory_space<hbm>>
      %dma_start3A_151 = tpu.memref_squeeze %dma_start3A_150 : memref<1x8192xf32, #tpu.memory_space<hbm>> -> memref<8192xf32, #tpu.memory_space<hbm>>
      %dma_start3A_152 = arith.constant 0 : i32
      %dma_start3A_153 = tpu.memref_slice %arg2[%add3A_148, %dma_start3A_152] : memref<4096x8192xf32, #tpu.memory_space<hbm>> -> memref<1x8192xf32, #tpu.memory_space<hbm>>
      %dma_start3A_154 = tpu.memref_squeeze %dma_start3A_153 : memref<1x8192xf32, #tpu.memory_space<hbm>> -> memref<8192xf32, #tpu.memory_space<hbm>>
      tpu.enqueue_dma source(%dma_start3A_154 : memref<8192xf32, #tpu.memory_space<hbm>>) target(%arg15 : memref<8192xf32, #tpu.memory_space<vmem>>) target_semaphore(%arg25 : memref<!tpu.dma_semaphore, #tpu.memory_space<semaphore_mem>>)
      %ge3A = arith.constant 2 : i32
      %ge3A_155 = arith.cmpi sge, %add3A_116, %ge3A : i32
      %convert_element_type3A = arith.extui %ge3A_155 : i1 to i32
      %cond3A = arith.constant 0 : i32
      %cond3A_156 = arith.cmpi ne, %convert_element_type3A, %cond3A : i32
      scf.if %cond3A_156 {
        %dma_wait3A_334 = arith.constant 0 : i32
        %dma_wait3A_335 = tpu.memref_slice %arg5[%mul3A_2, %dma_wait3A_334] : memref<2048x1024xf32, #tpu.memory_space<hbm>> -> memref<1x1024xf32, #tpu.memory_space<hbm>>
        %dma_wait3A_336 = tpu.memref_squeeze %dma_wait3A_335 : memref<1x1024xf32, #tpu.memory_space<hbm>> -> memref<1024xf32, #tpu.memory_space<hbm>>
        %dma_wait3A_337 = arith.constant 0 : i32
        %dma_wait3A_338 = tpu.memref_slice %arg5[%mul3A_2, %dma_wait3A_337] : memref<2048x1024xf32, #tpu.memory_space<hbm>> -> memref<1x1024xf32, #tpu.memory_space<hbm>>
        %dma_wait3A_339 = tpu.memref_squeeze %dma_wait3A_338 : memref<1x1024xf32, #tpu.memory_space<hbm>> -> memref<1024xf32, #tpu.memory_space<hbm>>
        tpu.wait_dma2 semaphore(%arg26 : memref<!tpu.dma_semaphore, #tpu.memory_space<semaphore_mem>>) src(%arg16 : memref<1024xf32, #tpu.memory_space<vmem>>) dst(%dma_wait3A_339 : memref<1024xf32, #tpu.memory_space<hbm>>)
        %dma_wait3A_340 = arith.constant 0 : i32
        %dma_wait3A_341 = tpu.memref_slice %arg5[%mul3A_2, %dma_wait3A_340] : memref<2048x1024xf32, #tpu.memory_space<hbm>> -> memref<1x1024xf32, #tpu.memory_space<hbm>>
        %dma_wait3A_342 = tpu.memref_squeeze %dma_wait3A_341 : memref<1x1024xf32, #tpu.memory_space<hbm>> -> memref<1024xf32, #tpu.memory_space<hbm>>
        %dma_wait3A_343 = arith.constant 0 : i32
        %dma_wait3A_344 = tpu.memref_slice %arg5[%mul3A_2, %dma_wait3A_343] : memref<2048x1024xf32, #tpu.memory_space<hbm>> -> memref<1x1024xf32, #tpu.memory_space<hbm>>
        %dma_wait3A_345 = tpu.memref_squeeze %dma_wait3A_344 : memref<1x1024xf32, #tpu.memory_space<hbm>> -> memref<1024xf32, #tpu.memory_space<hbm>>
        tpu.wait_dma2 semaphore(%arg26 : memref<!tpu.dma_semaphore, #tpu.memory_space<semaphore_mem>>) src(%arg17 : memref<1024xf32, #tpu.memory_space<vmem>>) dst(%dma_wait3A_345 : memref<1024xf32, #tpu.memory_space<hbm>>)
        %dma_wait3A_346 = arith.constant 0 : i32
        %dma_wait3A_347 = tpu.memref_slice %arg5[%mul3A_2, %dma_wait3A_346] : memref<2048x1024xf32, #tpu.memory_space<hbm>> -> memref<1x1024xf32, #tpu.memory_space<hbm>>
        %dma_wait3A_348 = tpu.memref_squeeze %dma_wait3A_347 : memref<1x1024xf32, #tpu.memory_space<hbm>> -> memref<1024xf32, #tpu.memory_space<hbm>>
        %dma_wait3A_349 = arith.constant 0 : i32
        %dma_wait3A_350 = tpu.memref_slice %arg5[%mul3A_2, %dma_wait3A_349] : memref<2048x1024xf32, #tpu.memory_space<hbm>> -> memref<1x1024xf32, #tpu.memory_space<hbm>>
        %dma_wait3A_351 = tpu.memref_squeeze %dma_wait3A_350 : memref<1x1024xf32, #tpu.memory_space<hbm>> -> memref<1024xf32, #tpu.memory_space<hbm>>
        tpu.wait_dma2 semaphore(%arg26 : memref<!tpu.dma_semaphore, #tpu.memory_space<semaphore_mem>>) src(%arg18 : memref<1024xf32, #tpu.memory_space<vmem>>) dst(%dma_wait3A_351 : memref<1024xf32, #tpu.memory_space<hbm>>)
        %dma_wait3A_352 = arith.constant 0 : i32
        %dma_wait3A_353 = tpu.memref_slice %arg5[%mul3A_2, %dma_wait3A_352] : memref<2048x1024xf32, #tpu.memory_space<hbm>> -> memref<1x1024xf32, #tpu.memory_space<hbm>>
        %dma_wait3A_354 = tpu.memref_squeeze %dma_wait3A_353 : memref<1x1024xf32, #tpu.memory_space<hbm>> -> memref<1024xf32, #tpu.memory_space<hbm>>
        %dma_wait3A_355 = arith.constant 0 : i32
        %dma_wait3A_356 = tpu.memref_slice %arg5[%mul3A_2, %dma_wait3A_355] : memref<2048x1024xf32, #tpu.memory_space<hbm>> -> memref<1x1024xf32, #tpu.memory_space<hbm>>
        %dma_wait3A_357 = tpu.memref_squeeze %dma_wait3A_356 : memref<1x1024xf32, #tpu.memory_space<hbm>> -> memref<1024xf32, #tpu.memory_space<hbm>>
        tpu.wait_dma2 semaphore(%arg26 : memref<!tpu.dma_semaphore, #tpu.memory_space<semaphore_mem>>) src(%arg19 : memref<1024xf32, #tpu.memory_space<vmem>>) dst(%dma_wait3A_357 : memref<1024xf32, #tpu.memory_space<hbm>>)
      } else {
      }
      %parallel_loop3A = arith.constant 0 : i32
      %parallel_loop3A_157 = arith.constant 64 : i32
      %parallel_loop3A_158 = arith.constant 1 : i32
      scf.for %parallel_loop3A_334 = %parallel_loop3A to %parallel_loop3A_157 step %parallel_loop3A_158  : i32 {
        %parallel_loop3A_335 = arith.constant 0.000000e+00 : f32
        %parallel_loop3A_336 = vector.broadcast %parallel_loop3A_335 : f32 to vector<16xf32>
        %parallel_loop3A_337 = arith.constant 16 : i32
        %parallel_loop3A_338 = arith.muli %parallel_loop3A_334, %parallel_loop3A_337 : i32
        %parallel_loop3A_339 = arith.index_cast %parallel_loop3A_338 : i32 to index
        %parallel_loop3A_340 = tpu.vector_load %arg16[%parallel_loop3A_339] {strides = array<i32>} : memref<1024xf32, #tpu.memory_space<vmem>>, vector<16xf32>,
        tpu.vector_store %arg16[%parallel_loop3A_339], %parallel_loop3A_336 {strides = array<i32>} : memref<1024xf32, #tpu.memory_space<vmem>>, vector<16xf32>,
        %parallel_loop3A_341 = arith.constant 16 : i32
        %parallel_loop3A_342 = arith.muli %parallel_loop3A_334, %parallel_loop3A_341 : i32
        %parallel_loop3A_343 = arith.index_cast %parallel_loop3A_342 : i32 to index
        %parallel_loop3A_344 = tpu.vector_load %arg17[%parallel_loop3A_343] {strides = array<i32>} : memref<1024xf32, #tpu.memory_space<vmem>>, vector<16xf32>,
        tpu.vector_store %arg17[%parallel_loop3A_343], %parallel_loop3A_336 {strides = array<i32>} : memref<1024xf32, #tpu.memory_space<vmem>>, vector<16xf32>,
        %parallel_loop3A_345 = arith.constant 16 : i32
        %parallel_loop3A_346 = arith.muli %parallel_loop3A_334, %parallel_loop3A_345 : i32
        %parallel_loop3A_347 = arith.index_cast %parallel_loop3A_346 : i32 to index
        %parallel_loop3A_348 = tpu.vector_load %arg18[%parallel_loop3A_347] {strides = array<i32>} : memref<1024xf32, #tpu.memory_space<vmem>>, vector<16xf32>,
        tpu.vector_store %arg18[%parallel_loop3A_347], %parallel_loop3A_336 {strides = array<i32>} : memref<1024xf32, #tpu.memory_space<vmem>>, vector<16xf32>,
        %parallel_loop3A_349 = arith.constant 16 : i32
        %parallel_loop3A_350 = arith.muli %parallel_loop3A_334, %parallel_loop3A_349 : i32
        %parallel_loop3A_351 = arith.index_cast %parallel_loop3A_350 : i32 to index
        %parallel_loop3A_352 = tpu.vector_load %arg19[%parallel_loop3A_351] {strides = array<i32>} : memref<1024xf32, #tpu.memory_space<vmem>>, vector<16xf32>,
        tpu.vector_store %arg19[%parallel_loop3A_351], %parallel_loop3A_336 {strides = array<i32>} : memref<1024xf32, #tpu.memory_space<vmem>>, vector<16xf32>,
      } {sc.loop_unroll_factor = 4 : i64, sc.parallel_access}
      %dma_wait3A_159 = arith.constant 0 : i32
      %dma_wait3A_160 = tpu.memref_slice %arg2[%mul3A_2, %dma_wait3A_159] : memref<4096x8192xf32, #tpu.memory_space<hbm>> -> memref<1x8192xf32, #tpu.memory_space<hbm>>
      %dma_wait3A_161 = tpu.memref_squeeze %dma_wait3A_160 : memref<1x8192xf32, #tpu.memory_space<hbm>> -> memref<8192xf32, #tpu.memory_space<hbm>>
      %dma_wait3A_162 = arith.constant 0 : i32
      %dma_wait3A_163 = tpu.memref_slice %arg2[%mul3A_2, %dma_wait3A_162] : memref<4096x8192xf32, #tpu.memory_space<hbm>> -> memref<1x8192xf32, #tpu.memory_space<hbm>>
      %dma_wait3A_164 = tpu.memref_squeeze %dma_wait3A_163 : memref<1x8192xf32, #tpu.memory_space<hbm>> -> memref<8192xf32, #tpu.memory_space<hbm>>
      tpu.wait_dma2 semaphore(%arg24 : memref<!tpu.dma_semaphore, #tpu.memory_space<semaphore_mem>>) src(%dma_wait3A_164 : memref<8192xf32, #tpu.memory_space<hbm>>) dst(%arg8 : memref<8192xf32, #tpu.memory_space<vmem>>)
      %dma_wait3A_165 = arith.constant 0 : i32
      %dma_wait3A_166 = tpu.memref_slice %arg2[%mul3A_2, %dma_wait3A_165] : memref<4096x8192xf32, #tpu.memory_space<hbm>> -> memref<1x8192xf32, #tpu.memory_space<hbm>>
      %dma_wait3A_167 = tpu.memref_squeeze %dma_wait3A_166 : memref<1x8192xf32, #tpu.memory_space<hbm>> -> memref<8192xf32, #tpu.memory_space<hbm>>
      %dma_wait3A_168 = arith.constant 0 : i32
      %dma_wait3A_169 = tpu.memref_slice %arg2[%mul3A_2, %dma_wait3A_168] : memref<4096x8192xf32, #tpu.memory_space<hbm>> -> memref<1x8192xf32, #tpu.memory_space<hbm>>
      %dma_wait3A_170 = tpu.memref_squeeze %dma_wait3A_169 : memref<1x8192xf32, #tpu.memory_space<hbm>> -> memref<8192xf32, #tpu.memory_space<hbm>>
      tpu.wait_dma2 semaphore(%arg24 : memref<!tpu.dma_semaphore, #tpu.memory_space<semaphore_mem>>) src(%dma_wait3A_170 : memref<8192xf32, #tpu.memory_space<hbm>>) dst(%arg9 : memref<8192xf32, #tpu.memory_space<vmem>>)
      %dma_wait3A_171 = arith.constant 0 : i32
      %dma_wait3A_172 = tpu.memref_slice %arg2[%mul3A_2, %dma_wait3A_171] : memref<4096x8192xf32, #tpu.memory_space<hbm>> -> memref<1x8192xf32, #tpu.memory_space<hbm>>
      %dma_wait3A_173 = tpu.memref_squeeze %dma_wait3A_172 : memref<1x8192xf32, #tpu.memory_space<hbm>> -> memref<8192xf32, #tpu.memory_space<hbm>>
      %dma_wait3A_174 = arith.constant 0 : i32
      %dma_wait3A_175 = tpu.memref_slice %arg2[%mul3A_2, %dma_wait3A_174] : memref<4096x8192xf32, #tpu.memory_space<hbm>> -> memref<1x8192xf32, #tpu.memory_space<hbm>>
      %dma_wait3A_176 = tpu.memref_squeeze %dma_wait3A_175 : memref<1x8192xf32, #tpu.memory_space<hbm>> -> memref<8192xf32, #tpu.memory_space<hbm>>
      tpu.wait_dma2 semaphore(%arg24 : memref<!tpu.dma_semaphore, #tpu.memory_space<semaphore_mem>>) src(%dma_wait3A_176 : memref<8192xf32, #tpu.memory_space<hbm>>) dst(%arg10 : memref<8192xf32, #tpu.memory_space<vmem>>)
      %dma_wait3A_177 = arith.constant 0 : i32
      %dma_wait3A_178 = tpu.memref_slice %arg2[%mul3A_2, %dma_wait3A_177] : memref<4096x8192xf32, #tpu.memory_space<hbm>> -> memref<1x8192xf32, #tpu.memory_space<hbm>>
      %dma_wait3A_179 = tpu.memref_squeeze %dma_wait3A_178 : memref<1x8192xf32, #tpu.memory_space<hbm>> -> memref<8192xf32, #tpu.memory_space<hbm>>
      %dma_wait3A_180 = arith.constant 0 : i32
      %dma_wait3A_181 = tpu.memref_slice %arg2[%mul3A_2, %dma_wait3A_180] : memref<4096x8192xf32, #tpu.memory_space<hbm>> -> memref<1x8192xf32, #tpu.memory_space<hbm>>
      %dma_wait3A_182 = tpu.memref_squeeze %dma_wait3A_181 : memref<1x8192xf32, #tpu.memory_space<hbm>> -> memref<8192xf32, #tpu.memory_space<hbm>>
      tpu.wait_dma2 semaphore(%arg24 : memref<!tpu.dma_semaphore, #tpu.memory_space<semaphore_mem>>) src(%dma_wait3A_182 : memref<8192xf32, #tpu.memory_space<hbm>>) dst(%arg11 : memref<8192xf32, #tpu.memory_space<vmem>>)
      %parallel_loop3A_183 = arith.constant 0 : i32
      %parallel_loop3A_184 = arith.constant 512 : i32
      %parallel_loop3A_185 = arith.constant 1 : i32
      scf.for %parallel_loop3A_334 = %parallel_loop3A_183 to %parallel_loop3A_184 step %parallel_loop3A_185  : i32 {
        %parallel_loop3A_335 = arith.constant 16 : i32
        %parallel_loop3A_336 = arith.muli %parallel_loop3A_334, %parallel_loop3A_335 : i32
        %parallel_loop3A_337 = arith.index_cast %parallel_loop3A_336 : i32 to index
        %parallel_loop3A_338 = tpu.vector_load %arg6[%parallel_loop3A_337] {strides = array<i32>} : memref<8192xi32, #tpu.memory_space<vmem>>, vector<16xi32>,
        %parallel_loop3A_339 = arith.index_cast %parallel_loop3A_336 : i32 to index
        %parallel_loop3A_340 = tpu.vector_load %arg7[%parallel_loop3A_339] {strides = array<i32>} : memref<8192xf32, #tpu.memory_space<vmem>>, vector<16xf32>,
        %parallel_loop3A_341 = arith.index_cast %parallel_loop3A_336 : i32 to index
        %parallel_loop3A_342 = tpu.vector_load %arg8[%parallel_loop3A_341] {strides = array<i32>} : memref<8192xf32, #tpu.memory_space<vmem>>, vector<16xf32>,
        %parallel_loop3A_343 = arith.mulf %parallel_loop3A_342, %parallel_loop3A_340 : vector<16xf32>
        tpu.vector_store_idx %arg16[%parallel_loop3A_338], %parallel_loop3A_343 {add = true} : memref<1024xf32, #tpu.memory_space<vmem>>[vector<16xi32>], vector<16xf32>,
        %parallel_loop3A_344 = arith.index_cast %parallel_loop3A_336 : i32 to index
        %parallel_loop3A_345 = tpu.vector_load %arg9[%parallel_loop3A_344] {strides = array<i32>} : memref<8192xf32, #tpu.memory_space<vmem>>, vector<16xf32>,
        %parallel_loop3A_346 = arith.mulf %parallel_loop3A_345, %parallel_loop3A_340 : vector<16xf32>
        tpu.vector_store_idx %arg17[%parallel_loop3A_338], %parallel_loop3A_346 {add = true} : memref<1024xf32, #tpu.memory_space<vmem>>[vector<16xi32>], vector<16xf32>,
        %parallel_loop3A_347 = arith.index_cast %parallel_loop3A_336 : i32 to index
        %parallel_loop3A_348 = tpu.vector_load %arg10[%parallel_loop3A_347] {strides = array<i32>} : memref<8192xf32, #tpu.memory_space<vmem>>, vector<16xf32>,
        %parallel_loop3A_349 = arith.mulf %parallel_loop3A_348, %parallel_loop3A_340 : vector<16xf32>
        tpu.vector_store_idx %arg18[%parallel_loop3A_338], %parallel_loop3A_349 {add = true} : memref<1024xf32, #tpu.memory_space<vmem>>[vector<16xi32>], vector<16xf32>,
        %parallel_loop3A_350 = arith.index_cast %parallel_loop3A_336 : i32 to index
        %parallel_loop3A_351 = tpu.vector_load %arg11[%parallel_loop3A_350] {strides = array<i32>} : memref<8192xf32, #tpu.memory_space<vmem>>, vector<16xf32>,
        %parallel_loop3A_352 = arith.mulf %parallel_loop3A_351, %parallel_loop3A_340 : vector<16xf32>
        tpu.vector_store_idx %arg19[%parallel_loop3A_338], %parallel_loop3A_352 {add = true} : memref<1024xf32, #tpu.memory_space<vmem>>[vector<16xi32>], vector<16xf32>,
      } {sc.loop_unroll_factor = 4 : i64, sc.parallel_access}
      %mul3A_186 = arith.constant 4 : i32
      %mul3A_187 = arith.muli %add3A_116, %mul3A_186 : i32
      %add3A_188 = arith.addi %mul3A_2, %mul3A_187 : i32
      %add3A_189 = arith.constant 0 : i32
      %add3A_190 = arith.addi %add3A_188, %add3A_189 : i32
      %dma_start3A_191 = arith.constant 0 : i32
      %dma_start3A_192 = tpu.memref_slice %arg5[%add3A_190, %dma_start3A_191] : memref<2048x1024xf32, #tpu.memory_space<hbm>> -> memref<1x1024xf32, #tpu.memory_space<hbm>>
      %dma_start3A_193 = tpu.memref_squeeze %dma_start3A_192 : memref<1x1024xf32, #tpu.memory_space<hbm>> -> memref<1024xf32, #tpu.memory_space<hbm>>
      %dma_start3A_194 = arith.constant 0 : i32
      %dma_start3A_195 = tpu.memref_slice %arg5[%add3A_190, %dma_start3A_194] : memref<2048x1024xf32, #tpu.memory_space<hbm>> -> memref<1x1024xf32, #tpu.memory_space<hbm>>
      %dma_start3A_196 = tpu.memref_squeeze %dma_start3A_195 : memref<1x1024xf32, #tpu.memory_space<hbm>> -> memref<1024xf32, #tpu.memory_space<hbm>>
      tpu.enqueue_dma source(%arg16 : memref<1024xf32, #tpu.memory_space<vmem>>) target(%dma_start3A_196 : memref<1024xf32, #tpu.memory_space<hbm>>) target_semaphore(%arg26 : memref<!tpu.dma_semaphore, #tpu.memory_space<semaphore_mem>>)
      %add3A_197 = arith.constant 1 : i32
      %add3A_198 = arith.addi %add3A_188, %add3A_197 : i32
      %dma_start3A_199 = arith.constant 0 : i32
      %dma_start3A_200 = tpu.memref_slice %arg5[%add3A_198, %dma_start3A_199] : memref<2048x1024xf32, #tpu.memory_space<hbm>> -> memref<1x1024xf32, #tpu.memory_space<hbm>>
      %dma_start3A_201 = tpu.memref_squeeze %dma_start3A_200 : memref<1x1024xf32, #tpu.memory_space<hbm>> -> memref<1024xf32, #tpu.memory_space<hbm>>
      %dma_start3A_202 = arith.constant 0 : i32
      %dma_start3A_203 = tpu.memref_slice %arg5[%add3A_198, %dma_start3A_202] : memref<2048x1024xf32, #tpu.memory_space<hbm>> -> memref<1x1024xf32, #tpu.memory_space<hbm>>
      %dma_start3A_204 = tpu.memref_squeeze %dma_start3A_203 : memref<1x1024xf32, #tpu.memory_space<hbm>> -> memref<1024xf32, #tpu.memory_space<hbm>>
      tpu.enqueue_dma source(%arg17 : memref<1024xf32, #tpu.memory_space<vmem>>) target(%dma_start3A_204 : memref<1024xf32, #tpu.memory_space<hbm>>) target_semaphore(%arg26 : memref<!tpu.dma_semaphore, #tpu.memory_space<semaphore_mem>>)
      %add3A_205 = arith.constant 2 : i32
      %add3A_206 = arith.addi %add3A_188, %add3A_205 : i32
      %dma_start3A_207 = arith.constant 0 : i32
      %dma_start3A_208 = tpu.memref_slice %arg5[%add3A_206, %dma_start3A_207] : memref<2048x1024xf32, #tpu.memory_space<hbm>> -> memref<1x1024xf32, #tpu.memory_space<hbm>>
      %dma_start3A_209 = tpu.memref_squeeze %dma_start3A_208 : memref<1x1024xf32, #tpu.memory_space<hbm>> -> memref<1024xf32, #tpu.memory_space<hbm>>
      %dma_start3A_210 = arith.constant 0 : i32
      %dma_start3A_211 = tpu.memref_slice %arg5[%add3A_206, %dma_start3A_210] : memref<2048x1024xf32, #tpu.memory_space<hbm>> -> memref<1x1024xf32, #tpu.memory_space<hbm>>
      %dma_start3A_212 = tpu.memref_squeeze %dma_start3A_211 : memref<1x1024xf32, #tpu.memory_space<hbm>> -> memref<1024xf32, #tpu.memory_space<hbm>>
      tpu.enqueue_dma source(%arg18 : memref<1024xf32, #tpu.memory_space<vmem>>) target(%dma_start3A_212 : memref<1024xf32, #tpu.memory_space<hbm>>) target_semaphore(%arg26 : memref<!tpu.dma_semaphore, #tpu.memory_space<semaphore_mem>>)
      %add3A_213 = arith.constant 3 : i32
      %add3A_214 = arith.addi %add3A_188, %add3A_213 : i32
      %dma_start3A_215 = arith.constant 0 : i32
      %dma_start3A_216 = tpu.memref_slice %arg5[%add3A_214, %dma_start3A_215] : memref<2048x1024xf32, #tpu.memory_space<hbm>> -> memref<1x1024xf32, #tpu.memory_space<hbm>>
      %dma_start3A_217 = tpu.memref_squeeze %dma_start3A_216 : memref<1x1024xf32, #tpu.memory_space<hbm>> -> memref<1024xf32, #tpu.memory_space<hbm>>
      %dma_start3A_218 = arith.constant 0 : i32
      %dma_start3A_219 = tpu.memref_slice %arg5[%add3A_214, %dma_start3A_218] : memref<2048x1024xf32, #tpu.memory_space<hbm>> -> memref<1x1024xf32, #tpu.memory_space<hbm>>
      %dma_start3A_220 = tpu.memref_squeeze %dma_start3A_219 : memref<1x1024xf32, #tpu.memory_space<hbm>> -> memref<1024xf32, #tpu.memory_space<hbm>>
      tpu.enqueue_dma source(%arg19 : memref<1024xf32, #tpu.memory_space<vmem>>) target(%dma_start3A_220 : memref<1024xf32, #tpu.memory_space<hbm>>) target_semaphore(%arg26 : memref<!tpu.dma_semaphore, #tpu.memory_space<semaphore_mem>>)
      %mul3A_221 = arith.constant 2 : i32
      %mul3A_222 = arith.muli %scan3A_112, %mul3A_221 : i32
      %add3A_223 = arith.constant 1 : i32
      %add3A_224 = arith.addi %mul3A_222, %add3A_223 : i32
      %add3A_225 = arith.constant 1 : i32
      %add3A_226 = arith.addi %add3A_224, %add3A_225 : i32
      %min3A_227 = arith.constant 15 : i32
      %min3A_228 = arith.minsi %add3A_226, %min3A_227 : i32
      %mul3A_229 = arith.constant 4 : i32
      %mul3A_230 = arith.muli %min3A_228, %mul3A_229 : i32
      %add3A_231 = arith.addi %mul3A_2, %mul3A_230 : i32
      %add3A_232 = arith.constant 0 : i32
      %add3A_233 = arith.addi %add3A_231, %add3A_232 : i32
      %dma_start3A_234 = arith.constant 0 : i32
      %dma_start3A_235 = tpu.memref_slice %arg2[%add3A_233, %dma_start3A_234] : memref<4096x8192xf32, #tpu.memory_space<hbm>> -> memref<1x8192xf32, #tpu.memory_space<hbm>>
      %dma_start3A_236 = tpu.memref_squeeze %dma_start3A_235 : memref<1x8192xf32, #tpu.memory_space<hbm>> -> memref<8192xf32, #tpu.memory_space<hbm>>
      %dma_start3A_237 = arith.constant 0 : i32
      %dma_start3A_238 = tpu.memref_slice %arg2[%add3A_233, %dma_start3A_237] : memref<4096x8192xf32, #tpu.memory_space<hbm>> -> memref<1x8192xf32, #tpu.memory_space<hbm>>
      %dma_start3A_239 = tpu.memref_squeeze %dma_start3A_238 : memref<1x8192xf32, #tpu.memory_space<hbm>> -> memref<8192xf32, #tpu.memory_space<hbm>>
      tpu.enqueue_dma source(%dma_start3A_239 : memref<8192xf32, #tpu.memory_space<hbm>>) target(%arg8 : memref<8192xf32, #tpu.memory_space<vmem>>) target_semaphore(%arg24 : memref<!tpu.dma_semaphore, #tpu.memory_space<semaphore_mem>>)
      %add3A_240 = arith.constant 1 : i32
      %add3A_241 = arith.addi %add3A_231, %add3A_240 : i32
      %dma_start3A_242 = arith.constant 0 : i32
      %dma_start3A_243 = tpu.memref_slice %arg2[%add3A_241, %dma_start3A_242] : memref<4096x8192xf32, #tpu.memory_space<hbm>> -> memref<1x8192xf32, #tpu.memory_space<hbm>>
      %dma_start3A_244 = tpu.memref_squeeze %dma_start3A_243 : memref<1x8192xf32, #tpu.memory_space<hbm>> -> memref<8192xf32, #tpu.memory_space<hbm>>
      %dma_start3A_245 = arith.constant 0 : i32
      %dma_start3A_246 = tpu.memref_slice %arg2[%add3A_241, %dma_start3A_245] : memref<4096x8192xf32, #tpu.memory_space<hbm>> -> memref<1x8192xf32, #tpu.memory_space<hbm>>
      %dma_start3A_247 = tpu.memref_squeeze %dma_start3A_246 : memref<1x8192xf32, #tpu.memory_space<hbm>> -> memref<8192xf32, #tpu.memory_space<hbm>>
      tpu.enqueue_dma source(%dma_start3A_247 : memref<8192xf32, #tpu.memory_space<hbm>>) target(%arg9 : memref<8192xf32, #tpu.memory_space<vmem>>) target_semaphore(%arg24 : memref<!tpu.dma_semaphore, #tpu.memory_space<semaphore_mem>>)
      %add3A_248 = arith.constant 2 : i32
      %add3A_249 = arith.addi %add3A_231, %add3A_248 : i32
      %dma_start3A_250 = arith.constant 0 : i32
      %dma_start3A_251 = tpu.memref_slice %arg2[%add3A_249, %dma_start3A_250] : memref<4096x8192xf32, #tpu.memory_space<hbm>> -> memref<1x8192xf32, #tpu.memory_space<hbm>>
      %dma_start3A_252 = tpu.memref_squeeze %dma_start3A_251 : memref<1x8192xf32, #tpu.memory_space<hbm>> -> memref<8192xf32, #tpu.memory_space<hbm>>
      %dma_start3A_253 = arith.constant 0 : i32
      %dma_start3A_254 = tpu.memref_slice %arg2[%add3A_249, %dma_start3A_253] : memref<4096x8192xf32, #tpu.memory_space<hbm>> -> memref<1x8192xf32, #tpu.memory_space<hbm>>
      %dma_start3A_255 = tpu.memref_squeeze %dma_start3A_254 : memref<1x8192xf32, #tpu.memory_space<hbm>> -> memref<8192xf32, #tpu.memory_space<hbm>>
      tpu.enqueue_dma source(%dma_start3A_255 : memref<8192xf32, #tpu.memory_space<hbm>>) target(%arg10 : memref<8192xf32, #tpu.memory_space<vmem>>) target_semaphore(%arg24 : memref<!tpu.dma_semaphore, #tpu.memory_space<semaphore_mem>>)
      %add3A_256 = arith.constant 3 : i32
      %add3A_257 = arith.addi %add3A_231, %add3A_256 : i32
      %dma_start3A_258 = arith.constant 0 : i32
      %dma_start3A_259 = tpu.memref_slice %arg2[%add3A_257, %dma_start3A_258] : memref<4096x8192xf32, #tpu.memory_space<hbm>> -> memref<1x8192xf32, #tpu.memory_space<hbm>>
      %dma_start3A_260 = tpu.memref_squeeze %dma_start3A_259 : memref<1x8192xf32, #tpu.memory_space<hbm>> -> memref<8192xf32, #tpu.memory_space<hbm>>
      %dma_start3A_261 = arith.constant 0 : i32
      %dma_start3A_262 = tpu.memref_slice %arg2[%add3A_257, %dma_start3A_261] : memref<4096x8192xf32, #tpu.memory_space<hbm>> -> memref<1x8192xf32, #tpu.memory_space<hbm>>
      %dma_start3A_263 = tpu.memref_squeeze %dma_start3A_262 : memref<1x8192xf32, #tpu.memory_space<hbm>> -> memref<8192xf32, #tpu.memory_space<hbm>>
      tpu.enqueue_dma source(%dma_start3A_263 : memref<8192xf32, #tpu.memory_space<hbm>>) target(%arg11 : memref<8192xf32, #tpu.memory_space<vmem>>) target_semaphore(%arg24 : memref<!tpu.dma_semaphore, #tpu.memory_space<semaphore_mem>>)
      %ge3A_264 = arith.constant 2 : i32
      %ge3A_265 = arith.cmpi sge, %add3A_224, %ge3A_264 : i32
      %convert_element_type3A_266 = arith.extui %ge3A_265 : i1 to i32
      %cond3A_267 = arith.constant 0 : i32
      %cond3A_268 = arith.cmpi ne, %convert_element_type3A_266, %cond3A_267 : i32
      scf.if %cond3A_268 {
        %dma_wait3A_334 = arith.constant 0 : i32
        %dma_wait3A_335 = tpu.memref_slice %arg5[%mul3A_2, %dma_wait3A_334] : memref<2048x1024xf32, #tpu.memory_space<hbm>> -> memref<1x1024xf32, #tpu.memory_space<hbm>>
        %dma_wait3A_336 = tpu.memref_squeeze %dma_wait3A_335 : memref<1x1024xf32, #tpu.memory_space<hbm>> -> memref<1024xf32, #tpu.memory_space<hbm>>
        %dma_wait3A_337 = arith.constant 0 : i32
        %dma_wait3A_338 = tpu.memref_slice %arg5[%mul3A_2, %dma_wait3A_337] : memref<2048x1024xf32, #tpu.memory_space<hbm>> -> memref<1x1024xf32, #tpu.memory_space<hbm>>
        %dma_wait3A_339 = tpu.memref_squeeze %dma_wait3A_338 : memref<1x1024xf32, #tpu.memory_space<hbm>> -> memref<1024xf32, #tpu.memory_space<hbm>>
        tpu.wait_dma2 semaphore(%arg27 : memref<!tpu.dma_semaphore, #tpu.memory_space<semaphore_mem>>) src(%arg20 : memref<1024xf32, #tpu.memory_space<vmem>>) dst(%dma_wait3A_339 : memref<1024xf32, #tpu.memory_space<hbm>>)
        %dma_wait3A_340 = arith.constant 0 : i32
        %dma_wait3A_341 = tpu.memref_slice %arg5[%mul3A_2, %dma_wait3A_340] : memref<2048x1024xf32, #tpu.memory_space<hbm>> -> memref<1x1024xf32, #tpu.memory_space<hbm>>
        %dma_wait3A_342 = tpu.memref_squeeze %dma_wait3A_341 : memref<1x1024xf32, #tpu.memory_space<hbm>> -> memref<1024xf32, #tpu.memory_space<hbm>>
        %dma_wait3A_343 = arith.constant 0 : i32
        %dma_wait3A_344 = tpu.memref_slice %arg5[%mul3A_2, %dma_wait3A_343] : memref<2048x1024xf32, #tpu.memory_space<hbm>> -> memref<1x1024xf32, #tpu.memory_space<hbm>>
        %dma_wait3A_345 = tpu.memref_squeeze %dma_wait3A_344 : memref<1x1024xf32, #tpu.memory_space<hbm>> -> memref<1024xf32, #tpu.memory_space<hbm>>
        tpu.wait_dma2 semaphore(%arg27 : memref<!tpu.dma_semaphore, #tpu.memory_space<semaphore_mem>>) src(%arg21 : memref<1024xf32, #tpu.memory_space<vmem>>) dst(%dma_wait3A_345 : memref<1024xf32, #tpu.memory_space<hbm>>)
        %dma_wait3A_346 = arith.constant 0 : i32
        %dma_wait3A_347 = tpu.memref_slice %arg5[%mul3A_2, %dma_wait3A_346] : memref<2048x1024xf32, #tpu.memory_space<hbm>> -> memref<1x1024xf32, #tpu.memory_space<hbm>>
        %dma_wait3A_348 = tpu.memref_squeeze %dma_wait3A_347 : memref<1x1024xf32, #tpu.memory_space<hbm>> -> memref<1024xf32, #tpu.memory_space<hbm>>
        %dma_wait3A_349 = arith.constant 0 : i32
        %dma_wait3A_350 = tpu.memref_slice %arg5[%mul3A_2, %dma_wait3A_349] : memref<2048x1024xf32, #tpu.memory_space<hbm>> -> memref<1x1024xf32, #tpu.memory_space<hbm>>
        %dma_wait3A_351 = tpu.memref_squeeze %dma_wait3A_350 : memref<1x1024xf32, #tpu.memory_space<hbm>> -> memref<1024xf32, #tpu.memory_space<hbm>>
        tpu.wait_dma2 semaphore(%arg27 : memref<!tpu.dma_semaphore, #tpu.memory_space<semaphore_mem>>) src(%arg22 : memref<1024xf32, #tpu.memory_space<vmem>>) dst(%dma_wait3A_351 : memref<1024xf32, #tpu.memory_space<hbm>>)
        %dma_wait3A_352 = arith.constant 0 : i32
        %dma_wait3A_353 = tpu.memref_slice %arg5[%mul3A_2, %dma_wait3A_352] : memref<2048x1024xf32, #tpu.memory_space<hbm>> -> memref<1x1024xf32, #tpu.memory_space<hbm>>
        %dma_wait3A_354 = tpu.memref_squeeze %dma_wait3A_353 : memref<1x1024xf32, #tpu.memory_space<hbm>> -> memref<1024xf32, #tpu.memory_space<hbm>>
        %dma_wait3A_355 = arith.constant 0 : i32
        %dma_wait3A_356 = tpu.memref_slice %arg5[%mul3A_2, %dma_wait3A_355] : memref<2048x1024xf32, #tpu.memory_space<hbm>> -> memref<1x1024xf32, #tpu.memory_space<hbm>>
        %dma_wait3A_357 = tpu.memref_squeeze %dma_wait3A_356 : memref<1x1024xf32, #tpu.memory_space<hbm>> -> memref<1024xf32, #tpu.memory_space<hbm>>
        tpu.wait_dma2 semaphore(%arg27 : memref<!tpu.dma_semaphore, #tpu.memory_space<semaphore_mem>>) src(%arg23 : memref<1024xf32, #tpu.memory_space<vmem>>) dst(%dma_wait3A_357 : memref<1024xf32, #tpu.memory_space<hbm>>)
      } else {
      }
      %parallel_loop3A_269 = arith.constant 0 : i32
      %parallel_loop3A_270 = arith.constant 64 : i32
      %parallel_loop3A_271 = arith.constant 1 : i32
      scf.for %parallel_loop3A_334 = %parallel_loop3A_269 to %parallel_loop3A_270 step %parallel_loop3A_271  : i32 {
        %parallel_loop3A_335 = arith.constant 0.000000e+00 : f32
        %parallel_loop3A_336 = vector.broadcast %parallel_loop3A_335 : f32 to vector<16xf32>
        %parallel_loop3A_337 = arith.constant 16 : i32
        %parallel_loop3A_338 = arith.muli %parallel_loop3A_334, %parallel_loop3A_337 : i32
        %parallel_loop3A_339 = arith.index_cast %parallel_loop3A_338 : i32 to index
        %parallel_loop3A_340 = tpu.vector_load %arg20[%parallel_loop3A_339] {strides = array<i32>} : memref<1024xf32, #tpu.memory_space<vmem>>, vector<16xf32>,
        tpu.vector_store %arg20[%parallel_loop3A_339], %parallel_loop3A_336 {strides = array<i32>} : memref<1024xf32, #tpu.memory_space<vmem>>, vector<16xf32>,
        %parallel_loop3A_341 = arith.constant 16 : i32
        %parallel_loop3A_342 = arith.muli %parallel_loop3A_334, %parallel_loop3A_341 : i32
        %parallel_loop3A_343 = arith.index_cast %parallel_loop3A_342 : i32 to index
        %parallel_loop3A_344 = tpu.vector_load %arg21[%parallel_loop3A_343] {strides = array<i32>} : memref<1024xf32, #tpu.memory_space<vmem>>, vector<16xf32>,
        tpu.vector_store %arg21[%parallel_loop3A_343], %parallel_loop3A_336 {strides = array<i32>} : memref<1024xf32, #tpu.memory_space<vmem>>, vector<16xf32>,
        %parallel_loop3A_345 = arith.constant 16 : i32
        %parallel_loop3A_346 = arith.muli %parallel_loop3A_334, %parallel_loop3A_345 : i32
        %parallel_loop3A_347 = arith.index_cast %parallel_loop3A_346 : i32 to index
        %parallel_loop3A_348 = tpu.vector_load %arg22[%parallel_loop3A_347] {strides = array<i32>} : memref<1024xf32, #tpu.memory_space<vmem>>, vector<16xf32>,
        tpu.vector_store %arg22[%parallel_loop3A_347], %parallel_loop3A_336 {strides = array<i32>} : memref<1024xf32, #tpu.memory_space<vmem>>, vector<16xf32>,
        %parallel_loop3A_349 = arith.constant 16 : i32
        %parallel_loop3A_350 = arith.muli %parallel_loop3A_334, %parallel_loop3A_349 : i32
        %parallel_loop3A_351 = arith.index_cast %parallel_loop3A_350 : i32 to index
        %parallel_loop3A_352 = tpu.vector_load %arg23[%parallel_loop3A_351] {strides = array<i32>} : memref<1024xf32, #tpu.memory_space<vmem>>, vector<16xf32>,
        tpu.vector_store %arg23[%parallel_loop3A_351], %parallel_loop3A_336 {strides = array<i32>} : memref<1024xf32, #tpu.memory_space<vmem>>, vector<16xf32>,
      } {sc.loop_unroll_factor = 4 : i64, sc.parallel_access}
      %dma_wait3A_272 = arith.constant 0 : i32
      %dma_wait3A_273 = tpu.memref_slice %arg2[%mul3A_2, %dma_wait3A_272] : memref<4096x8192xf32, #tpu.memory_space<hbm>> -> memref<1x8192xf32, #tpu.memory_space<hbm>>
      %dma_wait3A_274 = tpu.memref_squeeze %dma_wait3A_273 : memref<1x8192xf32, #tpu.memory_space<hbm>> -> memref<8192xf32, #tpu.memory_space<hbm>>
      %dma_wait3A_275 = arith.constant 0 : i32
      %dma_wait3A_276 = tpu.memref_slice %arg2[%mul3A_2, %dma_wait3A_275] : memref<4096x8192xf32, #tpu.memory_space<hbm>> -> memref<1x8192xf32, #tpu.memory_space<hbm>>
      %dma_wait3A_277 = tpu.memref_squeeze %dma_wait3A_276 : memref<1x8192xf32, #tpu.memory_space<hbm>> -> memref<8192xf32, #tpu.memory_space<hbm>>
      tpu.wait_dma2 semaphore(%arg25 : memref<!tpu.dma_semaphore, #tpu.memory_space<semaphore_mem>>) src(%dma_wait3A_277 : memref<8192xf32, #tpu.memory_space<hbm>>) dst(%arg12 : memref<8192xf32, #tpu.memory_space<vmem>>)
      %dma_wait3A_278 = arith.constant 0 : i32
      %dma_wait3A_279 = tpu.memref_slice %arg2[%mul3A_2, %dma_wait3A_278] : memref<4096x8192xf32, #tpu.memory_space<hbm>> -> memref<1x8192xf32, #tpu.memory_space<hbm>>
      %dma_wait3A_280 = tpu.memref_squeeze %dma_wait3A_279 : memref<1x8192xf32, #tpu.memory_space<hbm>> -> memref<8192xf32, #tpu.memory_space<hbm>>
      %dma_wait3A_281 = arith.constant 0 : i32
      %dma_wait3A_282 = tpu.memref_slice %arg2[%mul3A_2, %dma_wait3A_281] : memref<4096x8192xf32, #tpu.memory_space<hbm>> -> memref<1x8192xf32, #tpu.memory_space<hbm>>
      %dma_wait3A_283 = tpu.memref_squeeze %dma_wait3A_282 : memref<1x8192xf32, #tpu.memory_space<hbm>> -> memref<8192xf32, #tpu.memory_space<hbm>>
      tpu.wait_dma2 semaphore(%arg25 : memref<!tpu.dma_semaphore, #tpu.memory_space<semaphore_mem>>) src(%dma_wait3A_283 : memref<8192xf32, #tpu.memory_space<hbm>>) dst(%arg13 : memref<8192xf32, #tpu.memory_space<vmem>>)
      %dma_wait3A_284 = arith.constant 0 : i32
      %dma_wait3A_285 = tpu.memref_slice %arg2[%mul3A_2, %dma_wait3A_284] : memref<4096x8192xf32, #tpu.memory_space<hbm>> -> memref<1x8192xf32, #tpu.memory_space<hbm>>
      %dma_wait3A_286 = tpu.memref_squeeze %dma_wait3A_285 : memref<1x8192xf32, #tpu.memory_space<hbm>> -> memref<8192xf32, #tpu.memory_space<hbm>>
      %dma_wait3A_287 = arith.constant 0 : i32
      %dma_wait3A_288 = tpu.memref_slice %arg2[%mul3A_2, %dma_wait3A_287] : memref<4096x8192xf32, #tpu.memory_space<hbm>> -> memref<1x8192xf32, #tpu.memory_space<hbm>>
      %dma_wait3A_289 = tpu.memref_squeeze %dma_wait3A_288 : memref<1x8192xf32, #tpu.memory_space<hbm>> -> memref<8192xf32, #tpu.memory_space<hbm>>
      tpu.wait_dma2 semaphore(%arg25 : memref<!tpu.dma_semaphore, #tpu.memory_space<semaphore_mem>>) src(%dma_wait3A_289 : memref<8192xf32, #tpu.memory_space<hbm>>) dst(%arg14 : memref<8192xf32, #tpu.memory_space<vmem>>)
      %dma_wait3A_290 = arith.constant 0 : i32
      %dma_wait3A_291 = tpu.memref_slice %arg2[%mul3A_2, %dma_wait3A_290] : memref<4096x8192xf32, #tpu.memory_space<hbm>> -> memref<1x8192xf32, #tpu.memory_space<hbm>>
      %dma_wait3A_292 = tpu.memref_squeeze %dma_wait3A_291 : memref<1x8192xf32, #tpu.memory_space<hbm>> -> memref<8192xf32, #tpu.memory_space<hbm>>
      %dma_wait3A_293 = arith.constant 0 : i32
      %dma_wait3A_294 = tpu.memref_slice %arg2[%mul3A_2, %dma_wait3A_293] : memref<4096x8192xf32, #tpu.memory_space<hbm>> -> memref<1x8192xf32, #tpu.memory_space<hbm>>
      %dma_wait3A_295 = tpu.memref_squeeze %dma_wait3A_294 : memref<1x8192xf32, #tpu.memory_space<hbm>> -> memref<8192xf32, #tpu.memory_space<hbm>>
      tpu.wait_dma2 semaphore(%arg25 : memref<!tpu.dma_semaphore, #tpu.memory_space<semaphore_mem>>) src(%dma_wait3A_295 : memref<8192xf32, #tpu.memory_space<hbm>>) dst(%arg15 : memref<8192xf32, #tpu.memory_space<vmem>>)
      %parallel_loop3A_296 = arith.constant 0 : i32
      %parallel_loop3A_297 = arith.constant 512 : i32
      %parallel_loop3A_298 = arith.constant 1 : i32
      scf.for %parallel_loop3A_334 = %parallel_loop3A_296 to %parallel_loop3A_297 step %parallel_loop3A_298  : i32 {
        %parallel_loop3A_335 = arith.constant 16 : i32
        %parallel_loop3A_336 = arith.muli %parallel_loop3A_334, %parallel_loop3A_335 : i32
        %parallel_loop3A_337 = arith.index_cast %parallel_loop3A_336 : i32 to index
        %parallel_loop3A_338 = tpu.vector_load %arg6[%parallel_loop3A_337] {strides = array<i32>} : memref<8192xi32, #tpu.memory_space<vmem>>, vector<16xi32>,
        %parallel_loop3A_339 = arith.index_cast %parallel_loop3A_336 : i32 to index
        %parallel_loop3A_340 = tpu.vector_load %arg7[%parallel_loop3A_339] {strides = array<i32>} : memref<8192xf32, #tpu.memory_space<vmem>>, vector<16xf32>,
        %parallel_loop3A_341 = arith.index_cast %parallel_loop3A_336 : i32 to index
        %parallel_loop3A_342 = tpu.vector_load %arg12[%parallel_loop3A_341] {strides = array<i32>} : memref<8192xf32, #tpu.memory_space<vmem>>, vector<16xf32>,
        %parallel_loop3A_343 = arith.mulf %parallel_loop3A_342, %parallel_loop3A_340 : vector<16xf32>
        tpu.vector_store_idx %arg20[%parallel_loop3A_338], %parallel_loop3A_343 {add = true} : memref<1024xf32, #tpu.memory_space<vmem>>[vector<16xi32>], vector<16xf32>,
        %parallel_loop3A_344 = arith.index_cast %parallel_loop3A_336 : i32 to index
        %parallel_loop3A_345 = tpu.vector_load %arg13[%parallel_loop3A_344] {strides = array<i32>} : memref<8192xf32, #tpu.memory_space<vmem>>, vector<16xf32>,
        %parallel_loop3A_346 = arith.mulf %parallel_loop3A_345, %parallel_loop3A_340 : vector<16xf32>
        tpu.vector_store_idx %arg21[%parallel_loop3A_338], %parallel_loop3A_346 {add = true} : memref<1024xf32, #tpu.memory_space<vmem>>[vector<16xi32>], vector<16xf32>,
        %parallel_loop3A_347 = arith.index_cast %parallel_loop3A_336 : i32 to index
        %parallel_loop3A_348 = tpu.vector_load %arg14[%parallel_loop3A_347] {strides = array<i32>} : memref<8192xf32, #tpu.memory_space<vmem>>, vector<16xf32>,
        %parallel_loop3A_349 = arith.mulf %parallel_loop3A_348, %parallel_loop3A_340 : vector<16xf32>
        tpu.vector_store_idx %arg22[%parallel_loop3A_338], %parallel_loop3A_349 {add = true} : memref<1024xf32, #tpu.memory_space<vmem>>[vector<16xi32>], vector<16xf32>,
        %parallel_loop3A_350 = arith.index_cast %parallel_loop3A_336 : i32 to index
        %parallel_loop3A_351 = tpu.vector_load %arg15[%parallel_loop3A_350] {strides = array<i32>} : memref<8192xf32, #tpu.memory_space<vmem>>, vector<16xf32>,
        %parallel_loop3A_352 = arith.mulf %parallel_loop3A_351, %parallel_loop3A_340 : vector<16xf32>
        tpu.vector_store_idx %arg23[%parallel_loop3A_338], %parallel_loop3A_352 {add = true} : memref<1024xf32, #tpu.memory_space<vmem>>[vector<16xi32>], vector<16xf32>,
      } {sc.loop_unroll_factor = 4 : i64, sc.parallel_access}
      %mul3A_299 = arith.constant 4 : i32
      %mul3A_300 = arith.muli %add3A_224, %mul3A_299 : i32
      %add3A_301 = arith.addi %mul3A_2, %mul3A_300 : i32
      %add3A_302 = arith.constant 0 : i32
      %add3A_303 = arith.addi %add3A_301, %add3A_302 : i32
      %dma_start3A_304 = arith.constant 0 : i32
      %dma_start3A_305 = tpu.memref_slice %arg5[%add3A_303, %dma_start3A_304] : memref<2048x1024xf32, #tpu.memory_space<hbm>> -> memref<1x1024xf32, #tpu.memory_space<hbm>>
      %dma_start3A_306 = tpu.memref_squeeze %dma_start3A_305 : memref<1x1024xf32, #tpu.memory_space<hbm>> -> memref<1024xf32, #tpu.memory_space<hbm>>
      %dma_start3A_307 = arith.constant 0 : i32
      %dma_start3A_308 = tpu.memref_slice %arg5[%add3A_303, %dma_start3A_307] : memref<2048x1024xf32, #tpu.memory_space<hbm>> -> memref<1x1024xf32, #tpu.memory_space<hbm>>
      %dma_start3A_309 = tpu.memref_squeeze %dma_start3A_308 : memref<1x1024xf32, #tpu.memory_space<hbm>> -> memref<1024xf32, #tpu.memory_space<hbm>>
      tpu.enqueue_dma source(%arg20 : memref<1024xf32, #tpu.memory_space<vmem>>) target(%dma_start3A_309 : memref<1024xf32, #tpu.memory_space<hbm>>) target_semaphore(%arg27 : memref<!tpu.dma_semaphore, #tpu.memory_space<semaphore_mem>>)
      %add3A_310 = arith.constant 1 : i32
      %add3A_311 = arith.addi %add3A_301, %add3A_310 : i32
      %dma_start3A_312 = arith.constant 0 : i32
      %dma_start3A_313 = tpu.memref_slice %arg5[%add3A_311, %dma_start3A_312] : memref<2048x1024xf32, #tpu.memory_space<hbm>> -> memref<1x1024xf32, #tpu.memory_space<hbm>>
      %dma_start3A_314 = tpu.memref_squeeze %dma_start3A_313 : memref<1x1024xf32, #tpu.memory_space<hbm>> -> memref<1024xf32, #tpu.memory_space<hbm>>
      %dma_start3A_315 = arith.constant 0 : i32
      %dma_start3A_316 = tpu.memref_slice %arg5[%add3A_311, %dma_start3A_315] : memref<2048x1024xf32, #tpu.memory_space<hbm>> -> memref<1x1024xf32, #tpu.memory_space<hbm>>
      %dma_start3A_317 = tpu.memref_squeeze %dma_start3A_316 : memref<1x1024xf32, #tpu.memory_space<hbm>> -> memref<1024xf32, #tpu.memory_space<hbm>>
      tpu.enqueue_dma source(%arg21 : memref<1024xf32, #tpu.memory_space<vmem>>) target(%dma_start3A_317 : memref<1024xf32, #tpu.memory_space<hbm>>) target_semaphore(%arg27 : memref<!tpu.dma_semaphore, #tpu.memory_space<semaphore_mem>>)
      %add3A_318 = arith.constant 2 : i32
      %add3A_319 = arith.addi %add3A_301, %add3A_318 : i32
      %dma_start3A_320 = arith.constant 0 : i32
      %dma_start3A_321 = tpu.memref_slice %arg5[%add3A_319, %dma_start3A_320] : memref<2048x1024xf32, #tpu.memory_space<hbm>> -> memref<1x1024xf32, #tpu.memory_space<hbm>>
      %dma_start3A_322 = tpu.memref_squeeze %dma_start3A_321 : memref<1x1024xf32, #tpu.memory_space<hbm>> -> memref<1024xf32, #tpu.memory_space<hbm>>
      %dma_start3A_323 = arith.constant 0 : i32
      %dma_start3A_324 = tpu.memref_slice %arg5[%add3A_319, %dma_start3A_323] : memref<2048x1024xf32, #tpu.memory_space<hbm>> -> memref<1x1024xf32, #tpu.memory_space<hbm>>
      %dma_start3A_325 = tpu.memref_squeeze %dma_start3A_324 : memref<1x1024xf32, #tpu.memory_space<hbm>> -> memref<1024xf32, #tpu.memory_space<hbm>>
      tpu.enqueue_dma source(%arg22 : memref<1024xf32, #tpu.memory_space<vmem>>) target(%dma_start3A_325 : memref<1024xf32, #tpu.memory_space<hbm>>) target_semaphore(%arg27 : memref<!tpu.dma_semaphore, #tpu.memory_space<semaphore_mem>>)
      %add3A_326 = arith.constant 3 : i32
      %add3A_327 = arith.addi %add3A_301, %add3A_326 : i32
      %dma_start3A_328 = arith.constant 0 : i32
      %dma_start3A_329 = tpu.memref_slice %arg5[%add3A_327, %dma_start3A_328] : memref<2048x1024xf32, #tpu.memory_space<hbm>> -> memref<1x1024xf32, #tpu.memory_space<hbm>>
      %dma_start3A_330 = tpu.memref_squeeze %dma_start3A_329 : memref<1x1024xf32, #tpu.memory_space<hbm>> -> memref<1024xf32, #tpu.memory_space<hbm>>
      %dma_start3A_331 = arith.constant 0 : i32
      %dma_start3A_332 = tpu.memref_slice %arg5[%add3A_327, %dma_start3A_331] : memref<2048x1024xf32, #tpu.memory_space<hbm>> -> memref<1x1024xf32, #tpu.memory_space<hbm>>
      %dma_start3A_333 = tpu.memref_squeeze %dma_start3A_332 : memref<1x1024xf32, #tpu.memory_space<hbm>> -> memref<1024xf32, #tpu.memory_space<hbm>>
      tpu.enqueue_dma source(%arg23 : memref<1024xf32, #tpu.memory_space<vmem>>) target(%dma_start3A_333 : memref<1024xf32, #tpu.memory_space<hbm>>) target_semaphore(%arg27 : memref<!tpu.dma_semaphore, #tpu.memory_space<semaphore_mem>>)
    }
    %scan3A_40 = arith.constant 8 : i32
    %dma_wait3A = arith.constant 0 : i32
    %dma_wait3A_41 = tpu.memref_slice %arg2[%mul3A_2, %dma_wait3A] : memref<4096x8192xf32, #tpu.memory_space<hbm>> -> memref<1x8192xf32, #tpu.memory_space<hbm>>
    %dma_wait3A_42 = tpu.memref_squeeze %dma_wait3A_41 : memref<1x8192xf32, #tpu.memory_space<hbm>> -> memref<8192xf32, #tpu.memory_space<hbm>>
    %dma_wait3A_43 = arith.constant 0 : i32
    %dma_wait3A_44 = tpu.memref_slice %arg2[%mul3A_2, %dma_wait3A_43] : memref<4096x8192xf32, #tpu.memory_space<hbm>> -> memref<1x8192xf32, #tpu.memory_space<hbm>>
    %dma_wait3A_45 = tpu.memref_squeeze %dma_wait3A_44 : memref<1x8192xf32, #tpu.memory_space<hbm>> -> memref<8192xf32, #tpu.memory_space<hbm>>
    tpu.wait_dma2 semaphore(%arg24 : memref<!tpu.dma_semaphore, #tpu.memory_space<semaphore_mem>>) src(%dma_wait3A_45 : memref<8192xf32, #tpu.memory_space<hbm>>) dst(%arg8 : memref<8192xf32, #tpu.memory_space<vmem>>)
    %dma_wait3A_46 = arith.constant 0 : i32
    %dma_wait3A_47 = tpu.memref_slice %arg2[%mul3A_2, %dma_wait3A_46] : memref<4096x8192xf32, #tpu.memory_space<hbm>> -> memref<1x8192xf32, #tpu.memory_space<hbm>>
    %dma_wait3A_48 = tpu.memref_squeeze %dma_wait3A_47 : memref<1x8192xf32, #tpu.memory_space<hbm>> -> memref<8192xf32, #tpu.memory_space<hbm>>
    %dma_wait3A_49 = arith.constant 0 : i32
    %dma_wait3A_50 = tpu.memref_slice %arg2[%mul3A_2, %dma_wait3A_49] : memref<4096x8192xf32, #tpu.memory_space<hbm>> -> memref<1x8192xf32, #tpu.memory_space<hbm>>
    %dma_wait3A_51 = tpu.memref_squeeze %dma_wait3A_50 : memref<1x8192xf32, #tpu.memory_space<hbm>> -> memref<8192xf32, #tpu.memory_space<hbm>>
    tpu.wait_dma2 semaphore(%arg24 : memref<!tpu.dma_semaphore, #tpu.memory_space<semaphore_mem>>) src(%dma_wait3A_51 : memref<8192xf32, #tpu.memory_space<hbm>>) dst(%arg9 : memref<8192xf32, #tpu.memory_space<vmem>>)
    %dma_wait3A_52 = arith.constant 0 : i32
    %dma_wait3A_53 = tpu.memref_slice %arg2[%mul3A_2, %dma_wait3A_52] : memref<4096x8192xf32, #tpu.memory_space<hbm>> -> memref<1x8192xf32, #tpu.memory_space<hbm>>
    %dma_wait3A_54 = tpu.memref_squeeze %dma_wait3A_53 : memref<1x8192xf32, #tpu.memory_space<hbm>> -> memref<8192xf32, #tpu.memory_space<hbm>>
    %dma_wait3A_55 = arith.constant 0 : i32
    %dma_wait3A_56 = tpu.memref_slice %arg2[%mul3A_2, %dma_wait3A_55] : memref<4096x8192xf32, #tpu.memory_space<hbm>> -> memref<1x8192xf32, #tpu.memory_space<hbm>>
    %dma_wait3A_57 = tpu.memref_squeeze %dma_wait3A_56 : memref<1x8192xf32, #tpu.memory_space<hbm>> -> memref<8192xf32, #tpu.memory_space<hbm>>
    tpu.wait_dma2 semaphore(%arg24 : memref<!tpu.dma_semaphore, #tpu.memory_space<semaphore_mem>>) src(%dma_wait3A_57 : memref<8192xf32, #tpu.memory_space<hbm>>) dst(%arg10 : memref<8192xf32, #tpu.memory_space<vmem>>)
    %dma_wait3A_58 = arith.constant 0 : i32
    %dma_wait3A_59 = tpu.memref_slice %arg2[%mul3A_2, %dma_wait3A_58] : memref<4096x8192xf32, #tpu.memory_space<hbm>> -> memref<1x8192xf32, #tpu.memory_space<hbm>>
    %dma_wait3A_60 = tpu.memref_squeeze %dma_wait3A_59 : memref<1x8192xf32, #tpu.memory_space<hbm>> -> memref<8192xf32, #tpu.memory_space<hbm>>
    %dma_wait3A_61 = arith.constant 0 : i32
    %dma_wait3A_62 = tpu.memref_slice %arg2[%mul3A_2, %dma_wait3A_61] : memref<4096x8192xf32, #tpu.memory_space<hbm>> -> memref<1x8192xf32, #tpu.memory_space<hbm>>
    %dma_wait3A_63 = tpu.memref_squeeze %dma_wait3A_62 : memref<1x8192xf32, #tpu.memory_space<hbm>> -> memref<8192xf32, #tpu.memory_space<hbm>>
    tpu.wait_dma2 semaphore(%arg24 : memref<!tpu.dma_semaphore, #tpu.memory_space<semaphore_mem>>) src(%dma_wait3A_63 : memref<8192xf32, #tpu.memory_space<hbm>>) dst(%arg11 : memref<8192xf32, #tpu.memory_space<vmem>>)
    %dma_wait3A_64 = arith.constant 0 : i32
    %dma_wait3A_65 = tpu.memref_slice %arg5[%mul3A_2, %dma_wait3A_64] : memref<2048x1024xf32, #tpu.memory_space<hbm>> -> memref<1x1024xf32, #tpu.memory_space<hbm>>
    %dma_wait3A_66 = tpu.memref_squeeze %dma_wait3A_65 : memref<1x1024xf32, #tpu.memory_space<hbm>> -> memref<1024xf32, #tpu.memory_space<hbm>>
    %dma_wait3A_67 = arith.constant 0 : i32
    %dma_wait3A_68 = tpu.memref_slice %arg5[%mul3A_2, %dma_wait3A_67] : memref<2048x1024xf32, #tpu.memory_space<hbm>> -> memref<1x1024xf32, #tpu.memory_space<hbm>>
    %dma_wait3A_69 = tpu.memref_squeeze %dma_wait3A_68 : memref<1x1024xf32, #tpu.memory_space<hbm>> -> memref<1024xf32, #tpu.memory_space<hbm>>
    tpu.wait_dma2 semaphore(%arg26 : memref<!tpu.dma_semaphore, #tpu.memory_space<semaphore_mem>>) src(%arg16 : memref<1024xf32, #tpu.memory_space<vmem>>) dst(%dma_wait3A_69 : memref<1024xf32, #tpu.memory_space<hbm>>)
    %dma_wait3A_70 = arith.constant 0 : i32
    %dma_wait3A_71 = tpu.memref_slice %arg5[%mul3A_2, %dma_wait3A_70] : memref<2048x1024xf32, #tpu.memory_space<hbm>> -> memref<1x1024xf32, #tpu.memory_space<hbm>>
    %dma_wait3A_72 = tpu.memref_squeeze %dma_wait3A_71 : memref<1x1024xf32, #tpu.memory_space<hbm>> -> memref<1024xf32, #tpu.memory_space<hbm>>
    %dma_wait3A_73 = arith.constant 0 : i32
    %dma_wait3A_74 = tpu.memref_slice %arg5[%mul3A_2, %dma_wait3A_73] : memref<2048x1024xf32, #tpu.memory_space<hbm>> -> memref<1x1024xf32, #tpu.memory_space<hbm>>
    %dma_wait3A_75 = tpu.memref_squeeze %dma_wait3A_74 : memref<1x1024xf32, #tpu.memory_space<hbm>> -> memref<1024xf32, #tpu.memory_space<hbm>>
    tpu.wait_dma2 semaphore(%arg26 : memref<!tpu.dma_semaphore, #tpu.memory_space<semaphore_mem>>) src(%arg17 : memref<1024xf32, #tpu.memory_space<vmem>>) dst(%dma_wait3A_75 : memref<1024xf32, #tpu.memory_space<hbm>>)
    %dma_wait3A_76 = arith.constant 0 : i32
    %dma_wait3A_77 = tpu.memref_slice %arg5[%mul3A_2, %dma_wait3A_76] : memref<2048x1024xf32, #tpu.memory_space<hbm>> -> memref<1x1024xf32, #tpu.memory_space<hbm>>
    %dma_wait3A_78 = tpu.memref_squeeze %dma_wait3A_77 : memref<1x1024xf32, #tpu.memory_space<hbm>> -> memref<1024xf32, #tpu.memory_space<hbm>>
    %dma_wait3A_79 = arith.constant 0 : i32
    %dma_wait3A_80 = tpu.memref_slice %arg5[%mul3A_2, %dma_wait3A_79] : memref<2048x1024xf32, #tpu.memory_space<hbm>> -> memref<1x1024xf32, #tpu.memory_space<hbm>>
    %dma_wait3A_81 = tpu.memref_squeeze %dma_wait3A_80 : memref<1x1024xf32, #tpu.memory_space<hbm>> -> memref<1024xf32, #tpu.memory_space<hbm>>
    tpu.wait_dma2 semaphore(%arg26 : memref<!tpu.dma_semaphore, #tpu.memory_space<semaphore_mem>>) src(%arg18 : memref<1024xf32, #tpu.memory_space<vmem>>) dst(%dma_wait3A_81 : memref<1024xf32, #tpu.memory_space<hbm>>)
    %dma_wait3A_82 = arith.constant 0 : i32
    %dma_wait3A_83 = tpu.memref_slice %arg5[%mul3A_2, %dma_wait3A_82] : memref<2048x1024xf32, #tpu.memory_space<hbm>> -> memref<1x1024xf32, #tpu.memory_space<hbm>>
    %dma_wait3A_84 = tpu.memref_squeeze %dma_wait3A_83 : memref<1x1024xf32, #tpu.memory_space<hbm>> -> memref<1024xf32, #tpu.memory_space<hbm>>
    %dma_wait3A_85 = arith.constant 0 : i32
    %dma_wait3A_86 = tpu.memref_slice %arg5[%mul3A_2, %dma_wait3A_85] : memref<2048x1024xf32, #tpu.memory_space<hbm>> -> memref<1x1024xf32, #tpu.memory_space<hbm>>
    %dma_wait3A_87 = tpu.memref_squeeze %dma_wait3A_86 : memref<1x1024xf32, #tpu.memory_space<hbm>> -> memref<1024xf32, #tpu.memory_space<hbm>>
    tpu.wait_dma2 semaphore(%arg26 : memref<!tpu.dma_semaphore, #tpu.memory_space<semaphore_mem>>) src(%arg19 : memref<1024xf32, #tpu.memory_space<vmem>>) dst(%dma_wait3A_87 : memref<1024xf32, #tpu.memory_space<hbm>>)
    %dma_wait3A_88 = arith.constant 0 : i32
    %dma_wait3A_89 = tpu.memref_slice %arg5[%mul3A_2, %dma_wait3A_88] : memref<2048x1024xf32, #tpu.memory_space<hbm>> -> memref<1x1024xf32, #tpu.memory_space<hbm>>
    %dma_wait3A_90 = tpu.memref_squeeze %dma_wait3A_89 : memref<1x1024xf32, #tpu.memory_space<hbm>> -> memref<1024xf32, #tpu.memory_space<hbm>>
    %dma_wait3A_91 = arith.constant 0 : i32
    %dma_wait3A_92 = tpu.memref_slice %arg5[%mul3A_2, %dma_wait3A_91] : memref<2048x1024xf32, #tpu.memory_space<hbm>> -> memref<1x1024xf32, #tpu.memory_space<hbm>>
    %dma_wait3A_93 = tpu.memref_squeeze %dma_wait3A_92 : memref<1x1024xf32, #tpu.memory_space<hbm>> -> memref<1024xf32, #tpu.memory_space<hbm>>
    tpu.wait_dma2 semaphore(%arg27 : memref<!tpu.dma_semaphore, #tpu.memory_space<semaphore_mem>>) src(%arg20 : memref<1024xf32, #tpu.memory_space<vmem>>) dst(%dma_wait3A_93 : memref<1024xf32, #tpu.memory_space<hbm>>)
    %dma_wait3A_94 = arith.constant 0 : i32
    %dma_wait3A_95 = tpu.memref_slice %arg5[%mul3A_2, %dma_wait3A_94] : memref<2048x1024xf32, #tpu.memory_space<hbm>> -> memref<1x1024xf32, #tpu.memory_space<hbm>>
    %dma_wait3A_96 = tpu.memref_squeeze %dma_wait3A_95 : memref<1x1024xf32, #tpu.memory_space<hbm>> -> memref<1024xf32, #tpu.memory_space<hbm>>
    %dma_wait3A_97 = arith.constant 0 : i32
    %dma_wait3A_98 = tpu.memref_slice %arg5[%mul3A_2, %dma_wait3A_97] : memref<2048x1024xf32, #tpu.memory_space<hbm>> -> memref<1x1024xf32, #tpu.memory_space<hbm>>
    %dma_wait3A_99 = tpu.memref_squeeze %dma_wait3A_98 : memref<1x1024xf32, #tpu.memory_space<hbm>> -> memref<1024xf32, #tpu.memory_space<hbm>>
    tpu.wait_dma2 semaphore(%arg27 : memref<!tpu.dma_semaphore, #tpu.memory_space<semaphore_mem>>) src(%arg21 : memref<1024xf32, #tpu.memory_space<vmem>>) dst(%dma_wait3A_99 : memref<1024xf32, #tpu.memory_space<hbm>>)
    %dma_wait3A_100 = arith.constant 0 : i32
    %dma_wait3A_101 = tpu.memref_slice %arg5[%mul3A_2, %dma_wait3A_100] : memref<2048x1024xf32, #tpu.memory_space<hbm>> -> memref<1x1024xf32, #tpu.memory_space<hbm>>
    %dma_wait3A_102 = tpu.memref_squeeze %dma_wait3A_101 : memref<1x1024xf32, #tpu.memory_space<hbm>> -> memref<1024xf32, #tpu.memory_space<hbm>>
    %dma_wait3A_103 = arith.constant 0 : i32
    %dma_wait3A_104 = tpu.memref_slice %arg5[%mul3A_2, %dma_wait3A_103] : memref<2048x1024xf32, #tpu.memory_space<hbm>> -> memref<1x1024xf32, #tpu.memory_space<hbm>>
    %dma_wait3A_105 = tpu.memref_squeeze %dma_wait3A_104 : memref<1x1024xf32, #tpu.memory_space<hbm>> -> memref<1024xf32, #tpu.memory_space<hbm>>
    tpu.wait_dma2 semaphore(%arg27 : memref<!tpu.dma_semaphore, #tpu.memory_space<semaphore_mem>>) src(%arg22 : memref<1024xf32, #tpu.memory_space<vmem>>) dst(%dma_wait3A_105 : memref<1024xf32, #tpu.memory_space<hbm>>)
    %dma_wait3A_106 = arith.constant 0 : i32
    %dma_wait3A_107 = tpu.memref_slice %arg5[%mul3A_2, %dma_wait3A_106] : memref<2048x1024xf32, #tpu.memory_space<hbm>> -> memref<1x1024xf32, #tpu.memory_space<hbm>>
    %dma_wait3A_108 = tpu.memref_squeeze %dma_wait3A_107 : memref<1x1024xf32, #tpu.memory_space<hbm>> -> memref<1024xf32, #tpu.memory_space<hbm>>
    %dma_wait3A_109 = arith.constant 0 : i32
    %dma_wait3A_110 = tpu.memref_slice %arg5[%mul3A_2, %dma_wait3A_109] : memref<2048x1024xf32, #tpu.memory_space<hbm>> -> memref<1x1024xf32, #tpu.memory_space<hbm>>
    %dma_wait3A_111 = tpu.memref_squeeze %dma_wait3A_110 : memref<1x1024xf32, #tpu.memory_space<hbm>> -> memref<1024xf32, #tpu.memory_space<hbm>>
    tpu.wait_dma2 semaphore(%arg27 : memref<!tpu.dma_semaphore, #tpu.memory_space<semaphore_mem>>) src(%arg23 : memref<1024xf32, #tpu.memory_space<vmem>>) dst(%dma_wait3A_111 : memref<1024xf32, #tpu.memory_space<hbm>>)
    return
  }
}

module attributes {stable_mosaic.version = 14 : i64} {
  func.func @_tc_body(%arg0: i32, %arg1: i32, %arg2: memref<8192x1xi32, #tpu.memory_space<vmem>>, %arg3: memref<8192x1xf32, #tpu.memory_space<vmem>>, %arg4: memref<512x512xf32, #tpu.memory_space<vmem>>, %arg5: memref<512x1024xf32, #tpu.memory_space<vmem>>, %arg6: memref<16x512x1024xbf16, #tpu.memory_space<vmem>>) attributes {dimension_semantics = [#tpu.dimension_semantics<arbitrary>, #tpu.dimension_semantics<arbitrary>], iteration_bounds = array<i64: 4, 16>, scalar_prefetch = 0 : i64, scratch_operands = 1 : i64, tpu.core_type = #tpu.core_type<tc>, window_params = [{pipeline_mode = #tpu.pipeline_mode<synchronous>, transform_indices = @transform_0, window_bounds = array<i64: 8192, 1>}, {pipeline_mode = #tpu.pipeline_mode<synchronous>, transform_indices = @transform_1, window_bounds = array<i64: 8192, 1>}, {transform_indices = @transform_2, window_bounds = array<i64: 512, 512>}, {transform_indices = @transform_3, window_bounds = array<i64: 512, 1024>}]} {
    %eq3A = arith.constant 0 : i32
    %eq3A_0 = arith.cmpi eq, %arg1, %eq3A : i32
    %convert_element_type3A = arith.extui %eq3A_0 : i1 to i32
    %cond3A = arith.constant 0 : i32
    %cond3A_1 = arith.cmpi ne, %convert_element_type3A, %cond3A : i32
    scf.if %cond3A_1 {
      %broadcast_in_dim3A = arith.constant 0.000000e+00 : f32
      %broadcast_in_dim3A_21 = vector.broadcast %broadcast_in_dim3A : f32 to vector<512x1024xf32>
      %swap3A_22 = arith.constant 0 : index
      %swap3A_23 = arith.constant 0 : index
      %swap3A_24 = vector.load %arg5[%swap3A_22, %swap3A_23] : memref<512x1024xf32, #tpu.memory_space<vmem>>, vector<512x1024xf32>
      tpu.vector_store %arg5[%swap3A_22, %swap3A_23], %broadcast_in_dim3A_21 {strides = array<i32>} : memref<512x1024xf32, #tpu.memory_space<vmem>>, vector<512x1024xf32>,
    } else {
    }
    %eq3A_2 = arith.constant 0 : i32
    %eq3A_3 = arith.cmpi eq, %arg0, %eq3A_2 : i32
    %convert_element_type3A_4 = arith.extui %eq3A_3 : i1 to i32
    %cond3A_5 = arith.constant 0 : i32
    %cond3A_6 = arith.cmpi ne, %convert_element_type3A_4, %cond3A_5 : i32
    scf.if %cond3A_6 {
      %mul3A = arith.constant 512 : i32
      %mul3A_21 = arith.muli %arg1, %mul3A : i32
      %get3A_22 = arith.index_cast %mul3A_21 : i32 to index
      %get3A_23 = arith.constant 0 : index
      %get3A_24 = vector.load %arg2[%get3A_22, %get3A_23] : memref<8192x1xi32, #tpu.memory_space<vmem>>, vector<512x1xi32>
      %mul3A_25 = arith.constant 512 : i32
      %mul3A_26 = arith.muli %arg1, %mul3A_25 : i32
      %get3A_27 = arith.index_cast %mul3A_26 : i32 to index
      %get3A_28 = arith.constant 0 : index
      %get3A_29 = vector.load %arg3[%get3A_27, %get3A_28] : memref<8192x1xf32, #tpu.memory_space<vmem>>, vector<512x1xf32>
      %iota3A = tpu.iota {dimensions = array<i32: 1>} : vector<512x1024xi32>
      %eq3A_30 = vector.broadcast %get3A_24 : vector<512x1xi32> to vector<512x1024xi32>
      %eq3A_31 = arith.cmpi eq, %iota3A, %eq3A_30 : vector<512x1024xi32>
      %jit3A = arith.constant 0.000000e+00 : f32
      %broadcast_in_dim3A = vector.shape_cast %get3A_29 : vector<512x1xf32> to vector<512x1xf32>
      %broadcast_in_dim3A_32 = vector.broadcast %broadcast_in_dim3A : vector<512x1xf32> to vector<512x1024xf32>
      %broadcast_in_dim3A_33 = vector.broadcast %jit3A : f32 to vector<512x1024xf32>
      %select_n3A = arith.select %eq3A_31, %broadcast_in_dim3A_32, %broadcast_in_dim3A_33 : vector<512x1024xi1>, vector<512x1024xf32>
      %convert_element_type3A_34 = arith.truncf %select_n3A : vector<512x1024xf32> to vector<512x1024xbf16>
      %swap3A_35 = arith.index_cast %arg1 : i32 to index
      %swap3A_36 = arith.constant 0 : index
      %swap3A_37 = arith.constant 0 : index
      %swap3A_38 = vector.load %arg6[%swap3A_35, %swap3A_36, %swap3A_37] : memref<16x512x1024xbf16, #tpu.memory_space<vmem>>, vector<1x512x1024xbf16>
      %swap3A_39 = vector.shape_cast %swap3A_38 : vector<1x512x1024xbf16> to vector<512x1024xbf16>
      %swap3A_40 = vector.shape_cast %convert_element_type3A_34 : vector<512x1024xbf16> to vector<1x512x1024xbf16>
      tpu.vector_store %arg6[%swap3A_35, %swap3A_36, %swap3A_37], %swap3A_40 {strides = array<i32>} : memref<16x512x1024xbf16, #tpu.memory_space<vmem>>, vector<1x512x1024xbf16>,
    } else {
    }
    %get3A = arith.constant 0 : index
    %get3A_7 = arith.constant 0 : index
    %get3A_8 = vector.load %arg5[%get3A, %get3A_7] : memref<512x1024xf32, #tpu.memory_space<vmem>>, vector<512x1024xf32>
    %get3A_9 = arith.constant 0 : index
    %get3A_10 = arith.constant 0 : index
    %get3A_11 = vector.load %arg4[%get3A_9, %get3A_10] : memref<512x512xf32, #tpu.memory_space<vmem>>, vector<512x512xf32>
    %convert_element_type3A_12 = arith.truncf %get3A_11 : vector<512x512xf32> to vector<512x512xbf16>
    %get3A_13 = arith.index_cast %arg1 : i32 to index
    %get3A_14 = arith.constant 0 : index
    %get3A_15 = arith.constant 0 : index
    %get3A_16 = vector.load %arg6[%get3A_13, %get3A_14, %get3A_15] : memref<16x512x1024xbf16, #tpu.memory_space<vmem>>, vector<1x512x1024xbf16>
    %get3A_17 = vector.shape_cast %get3A_16 : vector<1x512x1024xbf16> to vector<512x1024xbf16>
    %dot_general3A = arith.constant dense<0.000000e+00> : vector<512x1024xf32>
    %dot_general3A_18 = tpu.matmul %convert_element_type3A_12, %get3A_17, %dot_general3A {dimension_numbers = #tpu.dot_dimension_numbers<[1], [0], [0], [1], [0, 0, 1, 1], [], []>, transpose_lhs_hint = false} : vector<512x512xbf16>, vector<512x1024xbf16>, vector<512x1024xf32> -> vector<512x1024xf32>
    %add3A = arith.addf %get3A_8, %dot_general3A_18 : vector<512x1024xf32>
    %swap3A = arith.constant 0 : index
    %swap3A_19 = arith.constant 0 : index
    %swap3A_20 = vector.load %arg5[%swap3A, %swap3A_19] : memref<512x1024xf32, #tpu.memory_space<vmem>>, vector<512x1024xf32>
    tpu.vector_store %arg5[%swap3A, %swap3A_19], %add3A {strides = array<i32>} : memref<512x1024xf32, #tpu.memory_space<vmem>>, vector<512x1024xf32>,
    return
  }
  func.func @transform_0(%arg0: i32, %arg1: i32) -> (i32, i32) {
    %c0_i32 = arith.constant 0 : i32
    %c0_i32_0 = arith.constant 0 : i32
    %c0_i32_1 = arith.constant 0 : i32
    return %c0_i32, %c0_i32_0 : i32, i32
  }
  func.func @transform_1(%arg0: i32, %arg1: i32) -> (i32, i32) {
    %c0_i32 = arith.constant 0 : i32
    %c0_i32_0 = arith.constant 0 : i32
    %c0_i32_1 = arith.constant 0 : i32
    return %c0_i32, %c0_i32_0 : i32, i32
  }
  func.func @transform_2(%arg0: i32, %arg1: i32) -> (i32, i32) {
    %add3A = arith.constant 4 : i32
    %add3A_0 = arith.addi %arg0, %add3A : i32
    %c0_i32 = arith.constant 0 : i32
    return %add3A_0, %arg1 : i32, i32
  }
  func.func @transform_3(%arg0: i32, %arg1: i32) -> (i32, i32) {
    %c0_i32 = arith.constant 0 : i32
    %c0_i32_0 = arith.constant 0 : i32
    return %arg0, %c0_i32 : i32, i32
  }
}

</mosaic_0001>

<sc_bundles>
// kernel: kernel.4.cloned.1.call-start
scs
__scs_entry_jumppad:
0x0: {  	(pc) =	sbr.rel $0x88, $3  }
0x1: {  	(tag) =	ssettag $0x0;
	lr =	simm.s32 $0x1  }
0x2: {  	[smem:$0x3F9E] =	sst lr;
	_ =	strace $0xD0000000  }
0x3: {  	_ = 	snop  }
0x4: {  	_ = 	snop  }
0x5: {  	_ = 	snop  }
0x6: {  	_ = 	snop  }
0x7: {  	_ = 	snop  }
__scs_overlays_trampoline_lowered:
0x8: {  	[smem:$0x3FAD] =	sst s0  }
0x9: {  	[smem:$0x3FAE] =	sst s1  }
0xa: {  	[smem:$0x3FAF] =	sst s2  }
0xb: {  	[smem:$0x3FB0] =	sst s3  }
0xc: {  	[smem:$0x3FB1] =	sst s4  }
0xd: {  	[smem:$0x3FB2] =	sst s5  }
0xe: {  	[smem:$0x3FB3] =	sst s6  }
0xf: {  	[smem:$0x3FB4] =	sst s7  }
0x10: {  	[smem:$0x3FB5] =	sst s8  }
0x11: {  	[smem:$0x3FB6] =	sst s9;
	s0 =	simm.s32 @!p0 $0x0  }
0x12: {  	s1 =	sld [smem:$0x3F9C];
	s0 =	simm.s32 @p0 $0x1  }
0x13: {  	[smem:$0x3FB7] =	sst s0;
	s0 =	simm.s32 @!p1 $0x0  }
0x14: {  	s2 =	sld [smem:$0x3F9B];
	s0 =	simm.s32 @p1 $0x1  }
0x15: {  	[smem:$0x3FB8] =	sst s0;
	s0 =	simm.s32 @!p2 $0x0  }
0x16: {  	s3 =	sld [smem:$0x3FDB];
	s0 =	simm.s32 @p2 $0x1  }
0x17: {  	s4 =	simm.s32 $0x1BF5;
	[smem:$0x3FBA] =	sst s0  }
0x18: {  	s0 =	sld [smem:$0x3F9D];
	_ =	swait.ge [sflag:s4], $0x0  }
0x19: {  	s7 =	sld [smem:$0x3F9E]  }
0x1a: {  	s8 =	sadd.s32 $0xFFFFE003, lr  }
0x1b: {  	s9 =	sadd.s32 $0xFFFFFEF7, lr;
	s5 =	simm.s32 $0xFFFFFFFF;
	p2 =	slt.u32 s8, $0xFFFFF086  }
0x1c: {  	p1 =	slt.u32 s9, $0xF7A;
	s5 =	simm.s32 @!p2 $0x0  }
0x1d: {  	s5 =	simm.s32 @p1 $0x1;
	p0 =	seq.s32 s7, s2  }
0x1e: {  	s7 =	smul.u32 @!p0 $0xF7A, s2;
	p2 =	seq.s32 @!p0 s5, $0x0  }
0x1f: {  	s9 =	smul.u32 $0xF7A, s1;
	s8 =	simm.s32 @!p0 $0x1BF5;
	p2 =	por !p2, p0  }
0x20: {  	[sflag:s8] =	ssyncset.s32 @!p0 $0xFFFFF086;
	s6 =	sadd.s32 @!p0 s3, s7;
	s7 =	simm.s32 @!p0 $0x108  }
0x21: {  	s3 =	sadd.s32 s3, s9;
	s6 =	sadd.s32 @!p0 $0x88, s6;
	s7 =	simm.s32 @p2 $0x1082  }
0x22: {  	[simem:s7], [sflag:s8] =	dma.local @!p0 [hbm:s6], $0xF7A  }
0x23: {  	s9 =	sor.u32 $0xD0000000, s2;
	s6 =	simm.s32 $0x108;
	_ =	swait.ge @!p0 [sflag:s8], $0x0  }
0x24: {  	s3 =	sadd.s32 $0x88, s3;
	s6 =	simm.s32 @!p1 $0x1082;
	[sflag:s4] =	ssyncset.s32 $0xFFFFF086  }
0x25: {  	[simem:s6], [sflag:s4] =	dma.local [hbm:s3], $0xF7A  }
0x26: {  	[smem:$0x3F9E] =	sst s1;
	(tag) =	ssettag s2;
	_ =	strace s9  }
0x27: {  	s1 =	sld [smem:$0x3FAE]  }
0x28: {  	s2 =	sld [smem:$0x3FAF]  }
0x29: {  	s4 =	sld [smem:$0x3FB1]  }
0x2a: {  	p0 =	seq.s32 s5, $0x0;
	s5 =	sld [smem:$0x3FB2]  }
0x2b: {  	s6 =	sld [smem:$0x3FB3]  }
0x2c: {  	s7 =	sld [smem:$0x3FB4]  }
0x2d: {  	s3 =	simm.s32 $0x108;
	s8 =	sld [smem:$0x3FB5]  }
0x2e: {  	s3 =	simm.s32 @!p0 $0x1082;
	s9 =	sld [smem:$0x3FB6]  }
0x2f: {  	lr =	sadd.s32 s0, s3;
	s0 =	sld [smem:$0x3FAD]  }
0x30: {  	s3 =	sld [smem:$0x3FB0]  }
0x31: {  	[smem:$0x3FB9] =	sst s10  }
0x32: {  	s10 =	sld [smem:$0x3FB7];
	_ =	sdelay $0x3  }
0x33: {  	p0 =	seq.s32 s10, $0x1;
	s10 =	sld [smem:$0x3FB9];
	_ =	sdelay $0x3  }
0x34: {  	[smem:$0x3FB9] =	sst s10  }
0x35: {  	s10 =	sld [smem:$0x3FB8];
	_ =	sdelay $0x3  }
0x36: {  	p1 =	seq.s32 s10, $0x1;
	s10 =	sld [smem:$0x3FB9];
	_ =	sdelay $0x3  }
0x37: {  	[smem:$0x3FB9] =	sst s10  }
0x38: {  	s10 =	sld [smem:$0x3FBA]  }
0x39: {  	_ = 	snop;
	(pc) =	sbr.ind lr, $3  }
0x3a: {  	_ = 	snop  }
0x3b: {  	_ = 	snop  }
0x3c: {  	p2 =	seq.s32 s10, $0x1;
	s10 =	sld [smem:$0x3FB9]  }
0x3d: {  	_ =	shalt  }
0x3e: {  	_ =	shalt  }
0x3f: {  	_ =	shalt  }
0x40: {  	_ =	shalt  }
0x41: {  	_ =	shalt  }
0x42: {  	_ =	shalt  }
0x43: {  	_ =	shalt  }
0x44: {  	_ =	shalt  }
0x45: {  	_ =	shalt  }
0x46: {  	_ =	shalt  }
0x47: {  	_ =	shalt  }
0x48: {  	_ =	shalt  }
0x49: {  	_ =	shalt  }
0x4a: {  	_ =	shalt  }
0x4b: {  	_ =	shalt  }
0x4c: {  	_ =	shalt  }
0x4d: {  	_ =	shalt  }
0x4e: {  	_ =	shalt  }
0x4f: {  	_ =	shalt  }
0x50: {  	_ =	shalt  }
0x51: {  	_ =	shalt  }
0x52: {  	_ =	shalt  }
0x53: {  	_ =	shalt  }
0x54: {  	_ =	shalt  }
0x55: {  	_ =	shalt  }
0x56: {  	_ =	shalt  }
0x57: {  	_ =	shalt  }
0x58: {  	_ =	shalt  }
0x59: {  	_ =	shalt  }
0x5a: {  	_ =	shalt  }
0x5b: {  	_ =	shalt  }
0x5c: {  	_ =	shalt  }
0x5d: {  	_ =	shalt  }
0x5e: {  	_ =	shalt  }
0x5f: {  	_ =	shalt  }
0x60: {  	_ =	shalt  }
0x61: {  	_ =	shalt  }
0x62: {  	_ =	shalt  }
0x63: {  	_ =	shalt  }
0x64: {  	_ =	shalt  }
0x65: {  	_ =	shalt  }
0x66: {  	_ =	shalt  }
0x67: {  	_ =	shalt  }
0x68: {  	_ =	shalt  }
0x69: {  	_ =	shalt  }
0x6a: {  	_ =	shalt  }
0x6b: {  	_ =	shalt  }
0x6c: {  	_ =	shalt  }
0x6d: {  	_ =	shalt  }
0x6e: {  	_ =	shalt  }
0x6f: {  	_ =	shalt  }
0x70: {  	_ =	shalt  }
0x71: {  	_ =	shalt  }
0x72: {  	_ =	shalt  }
0x73: {  	_ =	shalt  }
0x74: {  	_ =	shalt  }
0x75: {  	_ =	shalt  }
0x76: {  	_ =	shalt  }
0x77: {  	_ =	shalt  }
0x78: {  	_ =	shalt  }
0x79: {  	_ =	shalt  }
0x7a: {  	_ =	shalt  }
0x7b: {  	_ =	shalt  }
0x7c: {  	_ =	shalt  }
0x7d: {  	_ =	shalt  }
0x7e: {  	_ =	shalt  }
0x7f: {  	_ =	shalt  }
0x80: {  	_ =	shalt  }
0x81: {  	_ =	shalt  }
0x82: {  	_ =	shalt  }
0x83: {  	_ =	shalt  }
0x84: {  	_ =	shalt  }
0x85: {  	_ =	shalt  }
0x86: {  	_ =	shalt  }
0x87: {  	_ =	shalt  }
.Lfunc_end0:
.L_simem_size_0:
called_computation_lowered:
.L_overlay_start_0:
0x88: {  	s2 =	sld [smem:$0x3FD9]  }
0x89: {  	s3 =	sld [smem:$0x3FFE];
	_ =	sdelay $0x1  }
0x8a: {  	s1 =	srdreg.scid  }
0x8b: {  	s0 =	sand.u32 $0x1, s1  }
0x8c: {  	s17 =	sshll.u32 s0, $0xA;
	s2 =	sadd.s32 s3, s2  }
0x8d: {  	s2 =	sadd.s32 s2, s17  }
0x8e: {  	[smem:$0x3FC5] =	sst s2  }
0x8f: {  	_ = 	snop  }
0x90: {  	s2 =	sld [smem:$0x3FC9]  }
0x91: {  	s18 =	sld [smem:$0x3FC8]  }
0x92: {  	s4 =	sld [smem:$0x3FC7];
	(tm) =	ssettm $0x1  }
0x93: {  	s5 =	sld [smem:$0x3FFB];
	_ =	sdelay $0x3  }
0x94: {  	_ =	strace s5  }
0x95: {  	s5 =	sld [smem:$0x3FFC];
	_ =	sdelay $0x3  }
0x96: {  	_ =	strace s5  }
0x97: {  	s5 =	sld [smem:$0x3FFD];
	_ =	sdelay $0x3  }
0x98: {  	_ =	strace s5  }
0x99: {  	_ =	strace $0x8FFFFFFF  }
0x9a: {  	s19 =	sld [smem:$0x3FDB];
	_ =	sdelay $0x1  }
0x9b: {  	s6 =	simm.s32 $_scs_section_size  }
0x9c: {  	s7 =	simm.s32 $_size__tile_overlayer_lowered;
	s8 =	simm.s32 $_tile_overlayer_lowered  }
0x9d: {  	s22 =	simm.s32 $0x1BFF;
	s21 =	sshll.u32 s8, $0x1;
	s5 =	sadd.s32 s6, s19  }
0x9e: {  	s9 =	simm.s32 $0x0;
	s20 =	sshll.u32 s7, $0x1;
	s7 =	sadd.s32 s21, s5  }
0x9f: {  	[timem:s9], [sflag:s22] =	dma.local [hbm:s7], s20  }
0xa0: {  	_ =	swait.ge [sflag:s22], s20  }
0xa1: {  	s6 =	ssub.s32 $0x0, s20;
	[sflag:s22] =	ssyncset.done $0x0  }
0xa2: {  	[sflag:s22] =	ssyncadd.s32 s6;
	_ =	sdelay $0x1  }
0xa3: {  	s23 =	simm.s32 $0x1B8B  }
0xa4: {  	_ =	swait.ge [sflag:s23], $0x1  }
0xa5: {  	[sflag:s23] =	ssyncset.done $0x0  }
0xa6: {  	s25 =	simm.s32 $0x1B8E;
	s24 =	sld [smem:$0x3FFE];
	[sflag:s23] =	ssyncadd.s32 $0xFFFFFFFF  }
0xa7: {  	s26 =	simm.s32 $execute0_lowered;
	[smem:$0x3FD2] =	sst s25  }
0xa8: {  	s7 =	sshll.u32 s26, $0x1;
	_ =	strace $0x80000046;
	[dreg:$0x1] =	wrdreg $0xFFFFFFFF  }
0xa9: {  	s28 =	simm.s32 $_size_execute0_lowered;
	s5 =	sadd.s32 s5, s7;
	[dreg:$0x0] =	wrdreg $0x0  }
0xaa: {  	s7 =	sshll.u32 s28, $0x1;
	[dreg:$0x2] =	wrdreg s5  }
0xab: {  	[dreg:$0x3] =	wrdreg s7  }
0xac: {  	[dreg:$0x4] =	wrdreg $0xC0  }
0xad: {  	_ =	task [dreg:s9], $0x5FFFF  }
0xae: {  	[dreg:$0x1] =	wrdreg $0xFFFFFFFF  }
0xaf: {  	[dreg:$0x0] =	wrdreg $0x60  }
0xb0: {  	[dreg:$0x2] =	wrdreg s2  }
0xb1: {  	[dreg:$0x3] =	wrdreg s18  }
0xb2: {  	[dreg:$0x4] =	wrdreg s4  }
0xb3: {  	[dreg:$0x5] =	wrdreg s24  }
0xb4: {  	[dreg:$0x6] =	wrdreg $0x9  }
0xb5: {  	_ =	task.clear_ibuf [dreg:s9], $0x7FFFF;
	_ =	strace $0x90000046  }
0xb6: {  	s29 =	simm.s32 $0x9;
	_ =	strace $0x80000048  }
0xb7: {  	_ =	swait.ge [sflag:s29], $0x1  }
0xb8: {  	[sflag:s29] =	ssyncadd.s32 $0xFFFFFFFF  }
0xb9: {  	_ =	strace $0x90000048  }
0xba: {  	_ =	sfence  }
0xbb: {  	s30 =	sld [smem:$0x0];
	_ =	sdelay $0x2  }
0xbc: {  	s31 =	sshll.u32 s1, $0xD;
	s1 =	sshrl.u32 s1, $0x2  }
0xbd: {  	s3 =	sand.u32 $0x4000, s31;
	s1 =	sadd.s32 s1, s30  }
0xbe: {  	s0 =	sor.u32 s3, s0;
	s1 =	sshll.u32 s1, $0x11  }
0xbf: {  	s0 =	sor.u32 s1, s0  }
0xc0: {  	s0 =	sadd.s32 $0x8F2B, s0  }
0xc1: {  	[sflag:s0] =	ssyncadd.remote.s32 $0x1  }
0xc2: {  	_ =	sfence.sel $0xFFFF  }
0xc3: {  	[dreg:$0x0] =	wrdreg $0xFFFFFFFF;
	(pc) =	sbr.abs _section_cstart, $3  }
0xc4: {  	[dreg:$0x1] =	wrdreg $0xFFFFFFFF  }
0xc5: {  	_ =	task.clear_ibuf [dreg:s9], $0x2FFFF;
	_ =	strace $0x9FFFFFFF  }
0xc6: {  	(tm) =	ssettm $0x7FFFFFFF  }
0xc7: {  	_ =	shalt  }
tec
execute0_lowered:
.L_overlay_start_1:
0x0: {  	(tag) =	ssettag $0x1  }
0x1: {  	s4 =	rddreg [dreg:$0x0]  }
0x2: {  	s0 =	rddreg [dreg:$0x3]  }
0x3: {  	s1 =	srdreg.scid;
	s2 =	stileid.u32;
	s5 =	simm.s32 $0x0  }
0x4: {  	s29 =	simm.s32 $0x80;
	s30 =	simm.s32 $0x400;
	s11 =	simm.s32 $0x1  }
0x5: {  	s12 =	simm.s32 $0x14000;
	s9 =	simm.s32 $0x14800;
	s28 =	simm.s32 $0x15400  }
0x6: {  	s10 =	simm.s32 $0x15C00;
	[smem:$0x7FF] =	sst s5;
	s17 =	sadd.s32 $0x800, s0  }
0x7: {  	s22 =	sadd.s32 $0x40, s4;
	_ =	strace $0x80000047;
	[dreg:$0x6] =	wrdreg s17  }
0x8: {  	s1 =	sand.u32 $0x1, s1;
	s23 =	sadd.s32 $0x50, s4;
	[dreg:$0xb] =	wrdreg s22  }
0x9: {  	s2 =	sshll.u32 s2, $0x7;
	s24 =	sadd.s32 $0x60, s4;
	[dreg:$0xc] =	wrdreg s23  }
0xa: {  	s25 =	sadd.s32 $0x70, s4;
	s3 =	sshll.u32 s1, $0x6;
	[dreg:$0xd] =	wrdreg s24  }
0xb: {  	s1 =	ssub.s32 $0x2, s1;
	[dreg:$0xe] =	wrdreg s25;
	s22 =	sadd.s32 $0x850, s0  }
0xc: {  	s23 =	sadd.s32 $0x860, s0;
	s24 =	sadd.s32 $0x870, s0;
	s3 =	sor.u32 s3, s2  }
0xd: {  	s25 =	simm.s32 $0x14400;
	s18 =	sshrl.u32 s1, $0x1;
	s16 =	sshll.u32 s3, $0xA  }
0xe: {  	s1 =	ssub.s32 s1, s18;
	s26 =	sshll.u32 s3, $0x7;
	[dreg:$0x5] =	wrdreg s16  }
0xf: {  	s17 =	smov.u32 s3;
	s5 =	sadd.s32 s4, s16;
	[dreg:$0xf] =	wrdreg s26  }
0x10: {  	s18 =	sadd.s32 $0x810, s0;
	s31 =	smax.u32 s1, $0x1;
	[dreg:$0x7] =	wrdreg s5  }
0x11: {  	s3 =	simm.s32 $0x0;
	s19 =	sadd.s32 $0x10, s5;
	[dreg:$0x10] =	wrdreg s31  }
0x12: {  	s26 =	simm.s32 $0x14C00;
	s20 =	sadd.s32 $0x20, s5;
	[dreg:$0x8] =	wrdreg s19  }
0x13: {  	s1 =	simm.s32 $0x2;
	s21 =	sadd.s32 $0x30, s5;
	[dreg:$0x9] =	wrdreg s20  }
0x14: {  	s4 =	simm.s32 $0x15000;
	s5 =	simm.s32 $0x15800;
	[dreg:$0xa] =	wrdreg s21  }
0x15: {  	v0 =	vimm.f32 $0.0e+00;
	s19 =	sadd.s32 $0x820, s0;
	s20 =	sadd.s32 $0x830, s0;
	s21 =	sadd.s32 $0x840, s0  }
.LBB2_1:
0x16: {  	[dreg:$0x11] =	wrdreg s3  }
0x17: {  	s0 =	rddreg [dreg:$0x2];
	s2 =	simm.s32 $0x0;
	s15 =	simm.s32 $0x5  }
0x18: {  	[tilespmem:s2], [sflag:$0x5] =	stream.linear.gather [hbm4b:s0+s2], $0x2000, $0x38;
	[tilespmem:$0x16000] =	vst v63  }
0x19: {  	_ =	swait.ge [sflag:s15], $0x2000  }
0x1a: {  	[sflag:s15] =	ssyncset.done $0x0  }
0x1b: {  	[sflag:s15] =	ssyncadd.s32 $0xFFFFE000  }
0x1c: {  	s6 =	simm.s32 $0x2000;
	s16 =	rddreg [dreg:$0x1]  }
0x1d: {  	[tilespmem:s6], [sflag:$0x5] =	stream.linear.gather [hbm4b:s16+s2], $0x2000, $0x38;
	[tilespmem:$0x16000] =	vst v63  }
0x1e: {  	_ =	swait.ge [sflag:s15], $0x2000  }
0x1f: {  	[sflag:s15] =	ssyncset.done $0x0  }
0x20: {  	s6 =	simm.s32 $0x4000;
	s3 =	rddreg [dreg:$0x7];
	[sflag:s15] =	ssyncadd.s32 $0xFFFFE000  }
0x21: {  	[tilespmem:s6], [sflag:$0x1] =	stream.strided.gather [hbm4b:s3+s29], $0x2000, s30, s29, $0x38;
	[tilespmem:$0x16000] =	vst v63  }
0x22: {  	s8 =	simm.s32 $0x6000;
	s7 =	rddreg [dreg:$0x8]  }
0x23: {  	[tilespmem:s8], [sflag:$0x1] =	stream.strided.gather [hbm4b:s7+s29], $0x2000, s30, s29, $0x38;
	[tilespmem:$0x16000] =	vst v63  }
0x24: {  	s14 =	simm.s32 $0x8000;
	s13 =	rddreg [dreg:$0x9]  }
0x25: {  	[tilespmem:s14], [sflag:$0x1] =	stream.strided.gather [hbm4b:s13+s29], $0x2000, s30, s29, $0x38;
	[tilespmem:$0x16000] =	vst v63  }
0x26: {  	s31 =	simm.s32 $0x0;
	s16 =	simm.s32 $0xA000;
	s15 =	rddreg [dreg:$0xa]  }
0x27: {  	[tilespmem:s16], [sflag:$0x1] =	stream.strided.gather [hbm4b:s15+s29], $0x2000, s30, s29, $0x38;
	[tilespmem:$0x16000] =	vst v63  }
.LBB2_2:
0x28: {  	s0 =	sshll.u32 s31, $0x3  }
0x29: {  	s0 =	sadd.s32 s17, s0  }
0x2a: {  	s2 =	sshll.u32 s0, $0xA  }
0x2b: {  	s3 =	rddreg [dreg:$0xb];
	s2 =	sand.u32 $0x1FE000, s2  }
0x2c: {  	s6 =	simm.s32 $0xC000;
	s3 =	sadd.s32 s2, s3  }
0x2d: {  	[tilespmem:s6], [sflag:$0x2] =	stream.strided.gather [hbm4b:s3+s29], $0x2000, s30, s29, $0x38;
	[tilespmem:$0x16000] =	vst v63  }
0x2e: {  	s6 =	rddreg [dreg:$0xc]  }
0x2f: {  	s7 =	simm.s32 $0xE000;
	s8 =	rddreg [dreg:$0xd];
	s3 =	sadd.s32 s2, s6  }
0x30: {  	[tilespmem:s7], [sflag:$0x2] =	stream.strided.gather [hbm4b:s3+s29], $0x2000, s30, s29, $0x38;
	[tilespmem:$0x16000] =	vst v63  }
0x31: {  	s13 =	simm.s32 $0x10000;
	s14 =	rddreg [dreg:$0xe];
	s3 =	sadd.s32 s2, s8  }
0x32: {  	[tilespmem:s13], [sflag:$0x2] =	stream.strided.gather [hbm4b:s3+s29], $0x2000, s30, s29, $0x38;
	[tilespmem:$0x16000] =	vst v63  }
0x33: {  	s15 =	simm.s32 $0x12000;
	p0 =	seq.s32 s31, $0x0;
	s2 =	sadd.s32 s2, s14  }
0x34: {  	[tilespmem:s15], [sflag:$0x2] =	stream.strided.gather [hbm4b:s2+s29], $0x2000, s30, s29, $0x38;
	[tilespmem:$0x16000] =	vst v63  }
0x35: {  	s2 =	simm.s32 @!p0 $0x3  }
0x36: {  	_ =	swait.ge @!p0 [sflag:s2], $0x400  }
0x37: {  	[sflag:s2] =	ssyncset.done @!p0 $0x0  }
0x38: {  	[sflag:s2] =	ssyncadd.s32 @!p0 $0xFFFFFC00  }
0x39: {  	_ =	swait.ge @!p0 [sflag:s2], $0x400  }
0x3a: {  	[sflag:s2] =	ssyncset.done @!p0 $0x0  }
0x3b: {  	[sflag:s2] =	ssyncadd.s32 @!p0 $0xFFFFFC00  }
0x3c: {  	_ =	swait.ge @!p0 [sflag:s2], $0x400  }
0x3d: {  	[sflag:s2] =	ssyncset.done @!p0 $0x0  }
0x3e: {  	[sflag:s2] =	ssyncadd.s32 @!p0 $0xFFFFFC00  }
0x3f: {  	_ =	swait.ge @!p0 [sflag:s2], $0x400  }
0x40: {  	[sflag:s2] =	ssyncset.done @!p0 $0x0  }
0x41: {  	s16 =	simm.s32 $0x14020;
	[sflag:s2] =	ssyncadd.s32 @!p0 $0xFFFFFC00  }
0x42: {  	[tilespmem:s16+$0xFFFFFFF0] =	vst v0  }
0x43: {  	[tilespmem:s16+$0x0] =	vst v0  }
0x44: {  	[tilespmem:s16+$0x10] =	vst v0  }
0x45: {  	s2 =	simm.s32 $0x14420;
	[tilespmem:s16+$0xFFFFFFE0] =	vst v0  }
0x46: {  	[tilespmem:s2+$0xFFFFFFF0] =	vst v0  }
0x47: {  	[tilespmem:s2+$0x0] =	vst v0  }
0x48: {  	[tilespmem:s2+$0x10] =	vst v0  }
0x49: {  	s6 =	simm.s32 $0x14820;
	[tilespmem:s2+$0xFFFFFFE0] =	vst v0  }
0x4a: {  	[tilespmem:s6+$0xFFFFFFF0] =	vst v0  }
0x4b: {  	[tilespmem:s6+$0x0] =	vst v0  }
0x4c: {  	[tilespmem:s6+$0x10] =	vst v0  }
0x4d: {  	s7 =	simm.s32 $0x14C20;
	[tilespmem:s6+$0xFFFFFFE0] =	vst v0  }
0x4e: {  	[tilespmem:s7+$0xFFFFFFF0] =	vst v0  }
0x4f: {  	[tilespmem:s7+$0x0] =	vst v0  }
0x50: {  	[tilespmem:s7+$0x10] =	vst v0  }
0x51: {  	s8 =	simm.s32 $0x0;
	s3 =	sshll.u32 s31, $0x1;
	s13 =	simm.s32 $0x14060;
	[tilespmem:s7+$0xFFFFFFE0] =	vst v0  }
.LBB2_3:
0x52: {  	[tilespmem:s13+$0xFFFFFFF0] =	vst v0;
	s2 =	sadd.s32 $0x40, s2  }
0x53: {  	s6 =	sadd.s32 $0x40, s6;
	[tilespmem:s2+$0xFFFFFFF0] =	vst v0  }
0x54: {  	s7 =	sadd.s32 $0x40, s7;
	[tilespmem:s6+$0xFFFFFFF0] =	vst v0  }
0x55: {  	[tilespmem:s7+$0xFFFFFFF0] =	vst v0  }
0x56: {  	[tilespmem:s13+$0x0] =	vst v0  }
0x57: {  	[tilespmem:s2+$0x0] =	vst v0  }
0x58: {  	[tilespmem:s6+$0x0] =	vst v0  }
0x59: {  	[tilespmem:s7+$0x0] =	vst v0  }
0x5a: {  	[tilespmem:s13+$0x10] =	vst v0  }
0x5b: {  	s8 =	sadd.s32 $0x4, s8;
	[tilespmem:s2+$0x10] =	vst v0  }
0x5c: {  	p1 =	slt.u32 s8, $0x3C;
	[tilespmem:s6+$0x10] =	vst v0  }
.Ltmp0:
0x5d: {  	[tilespmem:s7+$0x10] =	vst v0;
	(pc) =	sbr.rel @p1 .LBB2_3-.Ltmp0, $4  }
0x5e: {  	[tilespmem:s13+$0xFFFFFFE0] =	vst v0  }
0x5f: {  	[tilespmem:s2+$0xFFFFFFE0] =	vst v0  }
0x60: {  	[tilespmem:s6+$0xFFFFFFE0] =	vst v0  }
0x61: {  	s13 =	sadd.s32 $0x40, s13;
	[tilespmem:s7+$0xFFFFFFE0] =	vst v0  }
0x62: {  	_ =	swait.ge [sflag:s11], $0x2000  }
0x63: {  	[sflag:s11] =	ssyncset.done $0x0  }
0x64: {  	[sflag:s11] =	ssyncadd.s32 $0xFFFFE000  }
0x65: {  	_ =	swait.ge [sflag:s11], $0x2000  }
0x66: {  	[sflag:s11] =	ssyncset.done $0x0  }
0x67: {  	[sflag:s11] =	ssyncadd.s32 $0xFFFFE000  }
0x68: {  	_ =	swait.ge [sflag:s11], $0x2000  }
0x69: {  	[sflag:s11] =	ssyncset.done $0x0  }
0x6a: {  	[sflag:s11] =	ssyncadd.s32 $0xFFFFE000  }
0x6b: {  	_ =	swait.ge [sflag:s11], $0x2000  }
0x6c: {  	[sflag:s11] =	ssyncset.done $0x0  }
0x6d: {  	s8 =	simm.s32 $0x2020;
	[sflag:s11] =	ssyncadd.s32 $0xFFFFE000  }
0x6e: {  	s2 =	simm.s32 $0x20;
	v7 =	vld [tilespmem:s8+$0x10]  }
0x6f: {  	s6 =	simm.s32 $0x4020;
	v8 =	vld [tilespmem:s2+$0x10]  }
0x70: {  	v2 =	vld [tilespmem:s6+$0x10];
	_ =	sdelay $0x2  }
0x71: {  	v1 =	vld [tilespmem:s8+$0xFFFFFFE0]  }
0x72: {  	v9 =	vld [tilespmem:s6+$0xFFFFFFE0]  }
0x73: {  	v5 =	vld [tilespmem:s2+$0xFFFFFFE0];
	v3 =	vmul.f32 v2, v7  }
0x74: {  	v11 =	vld [tilespmem:s6+$0xFFFFFFF0]  }
0x75: {  	s7 =	simm.s32 $0x6020;
	[tilespmem:v8+s12+$0x0] =	vst.idx.add.f32.msk $0xffff, v3  }
0x76: {  	v10 =	vld [tilespmem:s7+$0x10]  }
0x77: {  	v6 =	vld [tilespmem:s8+$0x0]  }
0x78: {  	v4 =	vld [tilespmem:s2+$0x0]  }
0x79: {  	v12 =	vld [tilespmem:s6+$0x0]  }
0x7a: {  	v3 =	vld [tilespmem:s2+$0xFFFFFFF0]  }
0x7b: {  	v2 =	vld [tilespmem:s8+$0xFFFFFFF0];
	v10 =	vmul.f32 v10, v7;
	_ =	sdelay $0x1  }
0x7c: {  	s8 =	simm.s32 $0x8020;
	v9 =	vmul.f32 v9, v1;
	[tilespmem:v8+s25+$0x0] =	vst.idx.add.f32.msk $0xffff, v10  }
0x7d: {  	v12 =	vmul.f32 v12, v6;
	v10 =	vld [tilespmem:s8+$0x10]  }
0x7e: {  	[tilespmem:v5+s12+$0x0] =	vst.idx.add.f32.msk $0xffff, v9  }
0x7f: {  	[tilespmem:v4+s12+$0x0] =	vst.idx.add.f32.msk $0xffff, v12;
	v11 =	vmul.f32 v11, v2  }
0x80: {  	v9 =	vld [tilespmem:s7+$0xFFFFFFE0]  }
0x81: {  	[tilespmem:v3+s12+$0x0] =	vst.idx.add.f32.msk $0xffff, v11  }
0x82: {  	v11 =	vld [tilespmem:s7+$0xFFFFFFF0];
	v10 =	vmul.f32 v10, v7  }
0x83: {  	v12 =	vld [tilespmem:s7+$0x0]  }
0x84: {  	s13 =	simm.s32 $0xA020;
	[tilespmem:v8+s9+$0x0] =	vst.idx.add.f32.msk $0xffff, v10  }
0x85: {  	v9 =	vmul.f32 v9, v1;
	v10 =	vld [tilespmem:s13+$0x10];
	_ =	sdelay $0x1  }
0x86: {  	[tilespmem:v5+s25+$0x0] =	vst.idx.add.f32.msk $0xffff, v9;
	v11 =	vmul.f32 v11, v2  }
0x87: {  	v9 =	vld [tilespmem:s8+$0xFFFFFFE0]  }
0x88: {  	[tilespmem:v3+s25+$0x0] =	vst.idx.add.f32.msk $0xffff, v11;
	v11 =	vmul.f32 v12, v6  }
0x89: {  	v63 =	vld [tilespmem:s8+$0xFFFFFFF0];
	v7 =	vmul.f32 v10, v7  }
0x8a: {  	[tilespmem:v4+s25+$0x0] =	vst.idx.add.f32.msk $0xffff, v11  }
0x8b: {  	[tilespmem:v8+s26+$0x0] =	vst.idx.add.f32.msk $0xffff, v7  }
0x8c: {  	v8 =	vld [tilespmem:s8+$0x0];
	_ =	sdelay $0x1  }
0x8d: {  	v7 =	vmul.f32 v9, v1;
	_ =	sdelay $0x1  }
0x8e: {  	s15 =	simm.s32 $0x0;
	s16 =	simm.s32 $0x2060;
	s14 =	simm.s32 $0xA020;
	[tilespmem:v5+s9+$0x0] =	vst.idx.add.f32.msk $0xffff, v7;
	v7 =	vmul.f32 v63, v2  }
.LBB2_5:
0x8f: {  	v9 =	vld [tilespmem:s16+$0x10];
	v8 =	vmul.f32 v8, v6;
	s2 =	sadd.s32 $0x40, s2  }
0x90: {  	s15 =	sadd.s32 $0x4, s15;
	s6 =	sadd.s32 $0x40, s6;
	v10 =	vld [tilespmem:s2+$0x10]  }
0x91: {  	p1 =	slt.u32 s15, $0x1FC;
	v11 =	vld [tilespmem:s6+$0x10]  }
0x92: {  	v12 =	vld [tilespmem:s16+$0xFFFFFFE0]  }
0x93: {  	v13 =	vld [tilespmem:s6+$0xFFFFFFE0]  }
0x94: {  	v14 =	vld [tilespmem:s16+$0xFFFFFFF0]  }
0x95: {  	v15 =	vld [tilespmem:s6+$0xFFFFFFF0]  }
0x96: {  	v16 =	vld [tilespmem:s16+$0x0];
	v11 =	vmul.f32 v11, v9  }
0x97: {  	v17 =	vld [tilespmem:s6+$0x0]  }
0x98: {  	s7 =	sadd.s32 $0x40, s7;
	v13 =	vmul.f32 v13, v12;
	[tilespmem:v10+s12+$0x0] =	vst.idx.add.f32.msk $0xffff, v11  }
0x99: {  	v11 =	vld [tilespmem:s7+$0x10]  }
0x9a: {  	v18 =	vld [tilespmem:s2+$0xFFFFFFF0];
	v15 =	vmul.f32 v15, v14  }
0x9b: {  	v19 =	vld [tilespmem:s2+$0x0]  }
0x9c: {  	v20 =	vld [tilespmem:s2+$0xFFFFFFE0];
	v17 =	vmul.f32 v17, v16  }
0x9d: {  	[tilespmem:v3+s9+$0x0] =	vst.idx.add.f32.msk $0xffff, v7  }
0x9e: {  	v7 =	vmul.f32 v11, v9;
	[tilespmem:v4+s9+$0x0] =	vst.idx.add.f32.msk $0xffff, v8  }
0x9f: {  	v8 =	vld [tilespmem:s13+$0xFFFFFFE0]  }
0xa0: {  	s8 =	sadd.s32 $0x40, s8;
	[tilespmem:v10+s25+$0x0] =	vst.idx.add.f32.msk $0xffff, v7  }
0xa1: {  	v7 =	vld [tilespmem:s8+$0x10]  }
0xa2: {  	[tilespmem:v18+s12+$0x0] =	vst.idx.add.f32.msk $0xffff, v15  }
0xa3: {  	[tilespmem:v19+s12+$0x0] =	vst.idx.add.f32.msk $0xffff, v17  }
0xa4: {  	[tilespmem:v20+s12+$0x0] =	vst.idx.add.f32.msk $0xffff, v13;
	v11 =	vmul.f32 v8, v1;
	v1 =	vmov v12  }
0xa5: {  	v8 =	vld [tilespmem:s7+$0xFFFFFFE0]  }
0xa6: {  	v12 =	vld [tilespmem:s7+$0xFFFFFFF0];
	v7 =	vmul.f32 v7, v9  }
0xa7: {  	v13 =	vld [tilespmem:s7+$0x0]  }
0xa8: {  	s13 =	sadd.s32 $0x40, s13;
	[tilespmem:v10+s9+$0x0] =	vst.idx.add.f32.msk $0xffff, v7  }
0xa9: {  	v7 =	vld [tilespmem:s13+$0x10]  }
0xaa: {  	v8 =	vmul.f32 v8, v1;
	v15 =	vld [tilespmem:s14+$0xFFFFFFF0]  }
0xab: {  	v12 =	vmul.f32 v12, v14;
	v17 =	vld [tilespmem:s14+$0x0];
	s14 =	smov.u32 s13  }
0xac: {  	[tilespmem:v20+s25+$0x0] =	vst.idx.add.f32.msk $0xffff, v8;
	v8 =	vmul.f32 v13, v16  }
0xad: {  	[tilespmem:v18+s25+$0x0] =	vst.idx.add.f32.msk $0xffff, v12  }
0xae: {  	[tilespmem:v19+s25+$0x0] =	vst.idx.add.f32.msk $0xffff, v8;
	v7 =	vmul.f32 v7, v9  }
0xaf: {  	v9 =	vld [tilespmem:s8+$0xFFFFFFE0];
	v12 =	vmul.f32 v15, v2;
	v2 =	vmov v14  }
0xb0: {  	[tilespmem:v10+s26+$0x0] =	vst.idx.add.f32.msk $0xffff, v7;
	v7 =	vmul.f32 v17, v6;
	v6 =	vmov v16  }
0xb1: {  	v10 =	vld [tilespmem:s8+$0xFFFFFFF0]  }
.Ltmp1:
0xb2: {  	v8 =	vld [tilespmem:s8+$0x0];
	(pc) =	sbr.rel @p1 .LBB2_5-.Ltmp1, $4  }
0xb3: {  	[tilespmem:v5+s26+$0x0] =	vst.idx.add.f32.msk $0xffff, v11;
	v5 =	vmov v20  }
0xb4: {  	v9 =	vmul.f32 v9, v1;
	[tilespmem:v3+s26+$0x0] =	vst.idx.add.f32.msk $0xffff, v12;
	v3 =	vmov v18  }
0xb5: {  	[tilespmem:v4+s26+$0x0] =	vst.idx.add.f32.msk $0xffff, v7;
	v4 =	vmov v19  }
0xb6: {  	s16 =	sadd.s32 $0x40, s16;
	[tilespmem:v20+s9+$0x0] =	vst.idx.add.f32.msk $0xffff, v9;
	v7 =	vmul.f32 v10, v2  }
0xb7: {  	_ =	sdelay $0x2  }
0xb8: {  	v8 =	vmul.f32 v8, v6;
	v61 =	vld [tilespmem:s13+$0xFFFFFFE0]  }
0xb9: {  	[tilespmem:v3+s9+$0x0] =	vst.idx.add.f32.msk $0xffff, v7  }
0xba: {  	[tilespmem:v4+s9+$0x0] =	vst.idx.add.f32.msk $0xffff, v8  }
0xbb: {  	v62 =	vld [tilespmem:s14+$0xFFFFFFF0]  }
0xbc: {  	v9 =	vld [tilespmem:s14+$0x0];
	_ =	sdelay $0x2  }
0xbd: {  	v1 =	vmul.f32 v61, v1  }
0xbe: {  	v2 =	vmul.f32 v62, v2  }
0xbf: {  	[tilespmem:v5+s26+$0x0] =	vst.idx.add.f32.msk $0xffff, v1;
	v63 =	vmul.f32 v9, v6  }
0xc0: {  	[tilespmem:v3+s26+$0x0] =	vst.idx.add.f32.msk $0xffff, v2  }
0xc1: {  	s2 =	sshll.u32 s31, $0xA;
	s6 =	rddreg [dreg:$0xf];
	[tilespmem:v4+s26+$0x0] =	vst.idx.add.f32.msk $0xffff, v63  }
0xc2: {  	s2 =	sadd.s32 s6, s2;
	s16 =	rddreg [dreg:$0x6]  }
0xc3: {  	s6 =	sadd.s32 s16, s2  }
0xc4: {  	[hbm4b:s6+s29] =	stream.strided.scatter [tilespmem:s12], [sflag:$0x3], $0x400, s30, s29, $0x38;
	[tilespmem:$0x16000] =	vst v63  }
0xc5: {  	s7 =	sadd.s32 s2, s18  }
0xc6: {  	[hbm4b:s7+s29] =	stream.strided.scatter [tilespmem:s25], [sflag:$0x3], $0x400, s30, s29, $0x38;
	[tilespmem:$0x16000] =	vst v63  }
0xc7: {  	s8 =	sadd.s32 s2, s19  }
0xc8: {  	[hbm4b:s8+s29] =	stream.strided.scatter [tilespmem:s9], [sflag:$0x3], $0x400, s30, s29, $0x38;
	[tilespmem:$0x16000] =	vst v63  }
0xc9: {  	s13 =	smin.u32 s3, $0xD;
	s2 =	sadd.s32 s2, s20  }
0xca: {  	[hbm4b:s2+s29] =	stream.strided.scatter [tilespmem:s26], [sflag:$0x3], $0x400, s30, s29, $0x38;
	[tilespmem:$0x16000] =	vst v63  }
0xcb: {  	s2 =	sadd.s32 $0x2, s13  }
0xcc: {  	s15 =	rddreg [dreg:$0x5];
	s14 =	sshll.u32 s2, $0xC;
	s2 =	sshll.u32 s2, $0x6  }
0xcd: {  	s16 =	rddreg [dreg:$0x0];
	s3 =	sadd.s32 s15, s14;
	s2 =	sand.u32 $0x40, s2  }
0xce: {  	s3 =	sand.u32 $0x3FE000, s3;
	s2 =	sadd.s32 s16, s2  }
0xcf: {  	s7 =	simm.s32 $0x4000;
	s2 =	sadd.s32 s3, s2  }
0xd0: {  	[tilespmem:s7], [sflag:$0x1] =	stream.strided.gather [hbm4b:s2+s29], $0x2000, s30, s29, $0x38;
	[tilespmem:$0x16000] =	vst v63  }
0xd1: {  	s13 =	simm.s32 $0x6000;
	s8 =	sadd.s32 $0x10, s2  }
0xd2: {  	[tilespmem:s13], [sflag:$0x1] =	stream.strided.gather [hbm4b:s8+s29], $0x2000, s30, s29, $0x38;
	[tilespmem:$0x16000] =	vst v63  }
0xd3: {  	s15 =	simm.s32 $0x8000;
	s14 =	sadd.s32 $0x20, s2  }
0xd4: {  	[tilespmem:s15], [sflag:$0x1] =	stream.strided.gather [hbm4b:s14+s29], $0x2000, s30, s29, $0x38;
	[tilespmem:$0x16000] =	vst v63  }
0xd5: {  	s16 =	simm.s32 $0xA000;
	s2 =	sadd.s32 $0x30, s2  }
0xd6: {  	[tilespmem:s16], [sflag:$0x1] =	stream.strided.gather [hbm4b:s2+s29], $0x2000, s30, s29, $0x38;
	[tilespmem:$0x16000] =	vst v63  }
0xd7: {  	s2 =	simm.s32 @!p0 $0x4  }
0xd8: {  	_ =	swait.ge @!p0 [sflag:s2], $0x400  }
0xd9: {  	[sflag:s2] =	ssyncset.done @!p0 $0x0  }
0xda: {  	[sflag:s2] =	ssyncadd.s32 @!p0 $0xFFFFFC00  }
0xdb: {  	_ =	swait.ge @!p0 [sflag:s2], $0x400  }
0xdc: {  	[sflag:s2] =	ssyncset.done @!p0 $0x0  }
0xdd: {  	[sflag:s2] =	ssyncadd.s32 @!p0 $0xFFFFFC00  }
0xde: {  	_ =	swait.ge @!p0 [sflag:s2], $0x400  }
0xdf: {  	[sflag:s2] =	ssyncset.done @!p0 $0x0  }
0xe0: {  	[sflag:s2] =	ssyncadd.s32 @!p0 $0xFFFFFC00  }
0xe1: {  	_ =	swait.ge @!p0 [sflag:s2], $0x400  }
0xe2: {  	[sflag:s2] =	ssyncset.done @!p0 $0x0  }
0xe3: {  	s7 =	simm.s32 $0x15020;
	[sflag:s2] =	ssyncadd.s32 @!p0 $0xFFFFFC00  }
0xe4: {  	[tilespmem:s7+$0xFFFFFFF0] =	vst v0  }
0xe5: {  	[tilespmem:s7+$0x0] =	vst v0  }
0xe6: {  	[tilespmem:s7+$0x10] =	vst v0  }
0xe7: {  	s2 =	simm.s32 $0x15420;
	[tilespmem:s7+$0xFFFFFFE0] =	vst v0  }
0xe8: {  	[tilespmem:s2+$0xFFFFFFF0] =	vst v0  }
0xe9: {  	[tilespmem:s2+$0x0] =	vst v0  }
0xea: {  	[tilespmem:s2+$0x10] =	vst v0  }
0xeb: {  	s3 =	simm.s32 $0x15820;
	[tilespmem:s2+$0xFFFFFFE0] =	vst v0  }
0xec: {  	[tilespmem:s3+$0xFFFFFFF0] =	vst v0  }
0xed: {  	[tilespmem:s3+$0x0] =	vst v0  }
0xee: {  	[tilespmem:s3+$0x10] =	vst v0  }
0xef: {  	s6 =	simm.s32 $0x15C20;
	[tilespmem:s3+$0xFFFFFFE0] =	vst v0  }
0xf0: {  	[tilespmem:s6+$0xFFFFFFF0] =	vst v0  }
0xf1: {  	[tilespmem:s6+$0x0] =	vst v0  }
0xf2: {  	[tilespmem:s6+$0x10] =	vst v0  }
0xf3: {  	s8 =	simm.s32 $0x15060;
	s7 =	simm.s32 $0x0;
	[tilespmem:s6+$0xFFFFFFE0] =	vst v0  }
.LBB2_7:
0xf4: {  	[tilespmem:s8+$0xFFFFFFF0] =	vst v0;
	s2 =	sadd.s32 $0x40, s2  }
0xf5: {  	s3 =	sadd.s32 $0x40, s3;
	[tilespmem:s2+$0xFFFFFFF0] =	vst v0  }
0xf6: {  	s6 =	sadd.s32 $0x40, s6;
	[tilespmem:s3+$0xFFFFFFF0] =	vst v0  }
0xf7: {  	[tilespmem:s6+$0xFFFFFFF0] =	vst v0  }
0xf8: {  	[tilespmem:s8+$0x0] =	vst v0  }
0xf9: {  	[tilespmem:s2+$0x0] =	vst v0  }
0xfa: {  	[tilespmem:s3+$0x0] =	vst v0  }
0xfb: {  	[tilespmem:s6+$0x0] =	vst v0  }
0xfc: {  	[tilespmem:s8+$0x10] =	vst v0  }
0xfd: {  	s7 =	sadd.s32 $0x4, s7;
	[tilespmem:s2+$0x10] =	vst v0  }
0xfe: {  	p0 =	slt.u32 s7, $0x3C;
	[tilespmem:s3+$0x10] =	vst v0  }
.Ltmp2:
0xff: {  	[tilespmem:s6+$0x10] =	vst v0;
	(pc) =	sbr.rel @p0 .LBB2_7-.Ltmp2, $4  }
0x100: {  	[tilespmem:s8+$0xFFFFFFE0] =	vst v0  }
0x101: {  	[tilespmem:s2+$0xFFFFFFE0] =	vst v0  }
0x102: {  	[tilespmem:s3+$0xFFFFFFE0] =	vst v0  }
0x103: {  	s8 =	sadd.s32 $0x40, s8;
	[tilespmem:s6+$0xFFFFFFE0] =	vst v0  }
0x104: {  	_ =	swait.ge [sflag:s1], $0x2000  }
0x105: {  	[sflag:s1] =	ssyncset.done $0x0  }
0x106: {  	[sflag:s1] =	ssyncadd.s32 $0xFFFFE000  }
0x107: {  	_ =	swait.ge [sflag:s1], $0x2000  }
0x108: {  	[sflag:s1] =	ssyncset.done $0x0  }
0x109: {  	[sflag:s1] =	ssyncadd.s32 $0xFFFFE000  }
0x10a: {  	_ =	swait.ge [sflag:s1], $0x2000  }
0x10b: {  	[sflag:s1] =	ssyncset.done $0x0  }
0x10c: {  	[sflag:s1] =	ssyncadd.s32 $0xFFFFE000  }
0x10d: {  	_ =	swait.ge [sflag:s1], $0x2000  }
0x10e: {  	[sflag:s1] =	ssyncset.done $0x0  }
0x10f: {  	s7 =	simm.s32 $0x2020;
	[sflag:s1] =	ssyncadd.s32 $0xFFFFE000  }
0x110: {  	s2 =	simm.s32 $0x20;
	v7 =	vld [tilespmem:s7+$0x10]  }
0x111: {  	s3 =	simm.s32 $0xC020;
	v8 =	vld [tilespmem:s2+$0x10]  }
0x112: {  	v2 =	vld [tilespmem:s3+$0x10];
	_ =	sdelay $0x2  }
0x113: {  	v1 =	vld [tilespmem:s7+$0xFFFFFFE0]  }
0x114: {  	v9 =	vld [tilespmem:s3+$0xFFFFFFE0]  }
0x115: {  	v5 =	vld [tilespmem:s2+$0xFFFFFFE0];
	v3 =	vmul.f32 v2, v7  }
0x116: {  	v11 =	vld [tilespmem:s3+$0xFFFFFFF0]  }
0x117: {  	s6 =	simm.s32 $0xE020;
	[tilespmem:v8+s4+$0x0] =	vst.idx.add.f32.msk $0xffff, v3  }
0x118: {  	v10 =	vld [tilespmem:s6+$0x10]  }
0x119: {  	v6 =	vld [tilespmem:s7+$0x0]  }
0x11a: {  	v4 =	vld [tilespmem:s2+$0x0]  }
0x11b: {  	v12 =	vld [tilespmem:s3+$0x0]  }
0x11c: {  	v3 =	vld [tilespmem:s2+$0xFFFFFFF0]  }
0x11d: {  	v2 =	vld [tilespmem:s7+$0xFFFFFFF0];
	v10 =	vmul.f32 v10, v7;
	_ =	sdelay $0x1  }
0x11e: {  	s7 =	simm.s32 $0x10020;
	v9 =	vmul.f32 v9, v1;
	[tilespmem:v8+s28+$0x0] =	vst.idx.add.f32.msk $0xffff, v10  }
0x11f: {  	v12 =	vmul.f32 v12, v6;
	v10 =	vld [tilespmem:s7+$0x10]  }
0x120: {  	[tilespmem:v5+s4+$0x0] =	vst.idx.add.f32.msk $0xffff, v9  }
0x121: {  	[tilespmem:v4+s4+$0x0] =	vst.idx.add.f32.msk $0xffff, v12;
	v11 =	vmul.f32 v11, v2  }
0x122: {  	v9 =	vld [tilespmem:s6+$0xFFFFFFE0]  }
0x123: {  	[tilespmem:v3+s4+$0x0] =	vst.idx.add.f32.msk $0xffff, v11  }
0x124: {  	v11 =	vld [tilespmem:s6+$0xFFFFFFF0];
	v10 =	vmul.f32 v10, v7  }
0x125: {  	v12 =	vld [tilespmem:s6+$0x0]  }
0x126: {  	s8 =	simm.s32 $0x12020;
	[tilespmem:v8+s5+$0x0] =	vst.idx.add.f32.msk $0xffff, v10  }
0x127: {  	v9 =	vmul.f32 v9, v1;
	v10 =	vld [tilespmem:s8+$0x10];
	_ =	sdelay $0x1  }
0x128: {  	[tilespmem:v5+s28+$0x0] =	vst.idx.add.f32.msk $0xffff, v9;
	v11 =	vmul.f32 v11, v2  }
0x129: {  	v9 =	vld [tilespmem:s7+$0xFFFFFFE0]  }
0x12a: {  	[tilespmem:v3+s28+$0x0] =	vst.idx.add.f32.msk $0xffff, v11;
	v11 =	vmul.f32 v12, v6  }
0x12b: {  	v63 =	vld [tilespmem:s7+$0xFFFFFFF0];
	v7 =	vmul.f32 v10, v7  }
0x12c: {  	[tilespmem:v4+s28+$0x0] =	vst.idx.add.f32.msk $0xffff, v11  }
0x12d: {  	[tilespmem:v8+s10+$0x0] =	vst.idx.add.f32.msk $0xffff, v7  }
0x12e: {  	v8 =	vld [tilespmem:s7+$0x0];
	_ =	sdelay $0x1  }
0x12f: {  	v7 =	vmul.f32 v9, v1;
	_ =	sdelay $0x1  }
0x130: {  	s14 =	simm.s32 $0x0;
	s15 =	simm.s32 $0x2060;
	s13 =	simm.s32 $0x12020;
	[tilespmem:v5+s5+$0x0] =	vst.idx.add.f32.msk $0xffff, v7;
	v7 =	vmul.f32 v63, v2  }
.LBB2_9:
0x131: {  	v9 =	vld [tilespmem:s15+$0x10];
	v8 =	vmul.f32 v8, v6;
	s2 =	sadd.s32 $0x40, s2  }
0x132: {  	s14 =	sadd.s32 $0x4, s14;
	s3 =	sadd.s32 $0x40, s3;
	v10 =	vld [tilespmem:s2+$0x10]  }
0x133: {  	p0 =	slt.u32 s14, $0x1FC;
	v11 =	vld [tilespmem:s3+$0x10]  }
0x134: {  	v12 =	vld [tilespmem:s15+$0xFFFFFFE0]  }
0x135: {  	v13 =	vld [tilespmem:s3+$0xFFFFFFE0]  }
0x136: {  	v14 =	vld [tilespmem:s15+$0xFFFFFFF0]  }
0x137: {  	v15 =	vld [tilespmem:s3+$0xFFFFFFF0]  }
0x138: {  	v16 =	vld [tilespmem:s15+$0x0];
	v11 =	vmul.f32 v11, v9  }
0x139: {  	v17 =	vld [tilespmem:s3+$0x0]  }
0x13a: {  	s6 =	sadd.s32 $0x40, s6;
	v13 =	vmul.f32 v13, v12;
	[tilespmem:v10+s4+$0x0] =	vst.idx.add.f32.msk $0xffff, v11  }
0x13b: {  	v11 =	vld [tilespmem:s6+$0x10]  }
0x13c: {  	v18 =	vld [tilespmem:s2+$0xFFFFFFF0];
	v15 =	vmul.f32 v15, v14  }
0x13d: {  	v19 =	vld [tilespmem:s2+$0x0]  }
0x13e: {  	v20 =	vld [tilespmem:s2+$0xFFFFFFE0];
	v17 =	vmul.f32 v17, v16  }
0x13f: {  	[tilespmem:v3+s5+$0x0] =	vst.idx.add.f32.msk $0xffff, v7  }
0x140: {  	v7 =	vmul.f32 v11, v9;
	[tilespmem:v4+s5+$0x0] =	vst.idx.add.f32.msk $0xffff, v8  }
0x141: {  	v8 =	vld [tilespmem:s8+$0xFFFFFFE0]  }
0x142: {  	s7 =	sadd.s32 $0x40, s7;
	[tilespmem:v10+s28+$0x0] =	vst.idx.add.f32.msk $0xffff, v7  }
0x143: {  	v7 =	vld [tilespmem:s7+$0x10]  }
0x144: {  	[tilespmem:v18+s4+$0x0] =	vst.idx.add.f32.msk $0xffff, v15  }
0x145: {  	[tilespmem:v19+s4+$0x0] =	vst.idx.add.f32.msk $0xffff, v17  }
0x146: {  	[tilespmem:v20+s4+$0x0] =	vst.idx.add.f32.msk $0xffff, v13;
	v11 =	vmul.f32 v8, v1;
	v1 =	vmov v12  }
0x147: {  	v8 =	vld [tilespmem:s6+$0xFFFFFFE0]  }
0x148: {  	v12 =	vld [tilespmem:s6+$0xFFFFFFF0];
	v7 =	vmul.f32 v7, v9  }
0x149: {  	v13 =	vld [tilespmem:s6+$0x0]  }
0x14a: {  	s8 =	sadd.s32 $0x40, s8;
	[tilespmem:v10+s5+$0x0] =	vst.idx.add.f32.msk $0xffff, v7  }
0x14b: {  	v7 =	vld [tilespmem:s8+$0x10]  }
0x14c: {  	v8 =	vmul.f32 v8, v1;
	v15 =	vld [tilespmem:s13+$0xFFFFFFF0]  }
0x14d: {  	v12 =	vmul.f32 v12, v14;
	v17 =	vld [tilespmem:s13+$0x0];
	s13 =	smov.u32 s8  }
0x14e: {  	[tilespmem:v20+s28+$0x0] =	vst.idx.add.f32.msk $0xffff, v8;
	v8 =	vmul.f32 v13, v16  }
0x14f: {  	[tilespmem:v18+s28+$0x0] =	vst.idx.add.f32.msk $0xffff, v12  }
0x150: {  	[tilespmem:v19+s28+$0x0] =	vst.idx.add.f32.msk $0xffff, v8;
	v7 =	vmul.f32 v7, v9  }
0x151: {  	v9 =	vld [tilespmem:s7+$0xFFFFFFE0];
	v12 =	vmul.f32 v15, v2;
	v2 =	vmov v14  }
0x152: {  	[tilespmem:v10+s10+$0x0] =	vst.idx.add.f32.msk $0xffff, v7;
	v7 =	vmul.f32 v17, v6;
	v6 =	vmov v16  }
0x153: {  	v10 =	vld [tilespmem:s7+$0xFFFFFFF0]  }
.Ltmp3:
0x154: {  	v8 =	vld [tilespmem:s7+$0x0];
	(pc) =	sbr.rel @p0 .LBB2_9-.Ltmp3, $4  }
0x155: {  	[tilespmem:v5+s10+$0x0] =	vst.idx.add.f32.msk $0xffff, v11;
	v5 =	vmov v20  }
0x156: {  	v9 =	vmul.f32 v9, v1;
	[tilespmem:v3+s10+$0x0] =	vst.idx.add.f32.msk $0xffff, v12;
	v3 =	vmov v18  }
0x157: {  	[tilespmem:v4+s10+$0x0] =	vst.idx.add.f32.msk $0xffff, v7;
	v4 =	vmov v19  }
0x158: {  	s15 =	sadd.s32 $0x40, s15;
	[tilespmem:v20+s5+$0x0] =	vst.idx.add.f32.msk $0xffff, v9;
	v7 =	vmul.f32 v10, v2  }
0x159: {  	_ =	sdelay $0x2  }
0x15a: {  	v8 =	vmul.f32 v8, v6;
	v61 =	vld [tilespmem:s8+$0xFFFFFFE0]  }
0x15b: {  	[tilespmem:v3+s5+$0x0] =	vst.idx.add.f32.msk $0xffff, v7  }
0x15c: {  	[tilespmem:v4+s5+$0x0] =	vst.idx.add.f32.msk $0xffff, v8  }
0x15d: {  	v62 =	vld [tilespmem:s13+$0xFFFFFFF0]  }
0x15e: {  	v9 =	vld [tilespmem:s13+$0x0];
	_ =	sdelay $0x2  }
0x15f: {  	v1 =	vmul.f32 v61, v1  }
0x160: {  	v2 =	vmul.f32 v62, v2  }
0x161: {  	s0 =	sshll.u32 s0, $0x7;
	[tilespmem:v5+s10+$0x0] =	vst.idx.add.f32.msk $0xffff, v1;
	v63 =	vmul.f32 v9, v6  }
0x162: {  	s0 =	sand.u32 $0x3FC00, s0;
	[tilespmem:v3+s10+$0x0] =	vst.idx.add.f32.msk $0xffff, v2  }
0x163: {  	s31 =	sadd.s32 $0x1, s31;
	s2 =	sadd.s32 s0, s21;
	[tilespmem:v4+s10+$0x0] =	vst.idx.add.f32.msk $0xffff, v63  }
0x164: {  	[hbm4b:s2+s29] =	stream.strided.scatter [tilespmem:s4], [sflag:$0x4], $0x400, s30, s29, $0x38;
	[tilespmem:$0x16000] =	vst v63  }
0x165: {  	p0 =	sne.s32 s31, $0x8;
	s15 =	sadd.s32 s0, s22  }
0x166: {  	[hbm4b:s15+s29] =	stream.strided.scatter [tilespmem:s28], [sflag:$0x4], $0x400, s30, s29, $0x38;
	[tilespmem:$0x16000] =	vst v63  }
.Ltmp4:
0x167: {  	_ = 	snop;
	(pc) =	sbr.rel @p0 .LBB2_2-.Ltmp4, $4  }
0x168: {  	s16 =	sadd.s32 s0, s23  }
0x169: {  	[hbm4b:s16+s29] =	stream.strided.scatter [tilespmem:s5], [sflag:$0x4], $0x400, s30, s29, $0x38;
	[tilespmem:$0x16000] =	vst v63  }
0x16a: {  	s0 =	sadd.s32 s0, s24  }
0x16b: {  	[hbm4b:s0+s29] =	stream.strided.scatter [tilespmem:s10], [sflag:$0x4], $0x400, s30, s29, $0x38;
	[tilespmem:$0x16000] =	vst v63  }
0x16c: {  	_ =	swait.ge [sflag:s11], $0x2000  }
0x16d: {  	[sflag:s11] =	ssyncset.done $0x0  }
0x16e: {  	[sflag:s11] =	ssyncadd.s32 $0xFFFFE000  }
0x16f: {  	_ =	swait.ge [sflag:s11], $0x2000  }
0x170: {  	[sflag:s11] =	ssyncset.done $0x0  }
0x171: {  	[sflag:s11] =	ssyncadd.s32 $0xFFFFE000  }
0x172: {  	_ =	swait.ge [sflag:s11], $0x2000  }
0x173: {  	[sflag:s11] =	ssyncset.done $0x0  }
0x174: {  	[sflag:s11] =	ssyncadd.s32 $0xFFFFE000  }
0x175: {  	_ =	swait.ge [sflag:s11], $0x2000  }
0x176: {  	[sflag:s11] =	ssyncset.done $0x0  }
0x177: {  	s0 =	simm.s32 $0x3;
	[sflag:s11] =	ssyncadd.s32 $0xFFFFE000  }
0x178: {  	_ =	swait.ge [sflag:s0], $0x400  }
0x179: {  	[sflag:s0] =	ssyncset.done $0x0  }
0x17a: {  	[sflag:s0] =	ssyncadd.s32 $0xFFFFFC00  }
0x17b: {  	_ =	swait.ge [sflag:s0], $0x400  }
0x17c: {  	[sflag:s0] =	ssyncset.done $0x0  }
0x17d: {  	[sflag:s0] =	ssyncadd.s32 $0xFFFFFC00  }
0x17e: {  	_ =	swait.ge [sflag:s0], $0x400  }
0x17f: {  	[sflag:s0] =	ssyncset.done $0x0  }
0x180: {  	[sflag:s0] =	ssyncadd.s32 $0xFFFFFC00  }
0x181: {  	_ =	swait.ge [sflag:s0], $0x400  }
0x182: {  	[sflag:s0] =	ssyncset.done $0x0  }
0x183: {  	s2 =	simm.s32 $0x4;
	[sflag:s0] =	ssyncadd.s32 $0xFFFFFC00  }
0x184: {  	_ =	swait.ge [sflag:s2], $0x400  }
0x185: {  	[sflag:s2] =	ssyncset.done $0x0  }
0x186: {  	[sflag:s2] =	ssyncadd.s32 $0xFFFFFC00  }
0x187: {  	_ =	swait.ge [sflag:s2], $0x400  }
0x188: {  	[sflag:s2] =	ssyncset.done $0x0  }
0x189: {  	[sflag:s2] =	ssyncadd.s32 $0xFFFFFC00  }
0x18a: {  	_ =	swait.ge [sflag:s2], $0x400  }
0x18b: {  	[sflag:s2] =	ssyncset.done $0x0  }
0x18c: {  	[sflag:s2] =	ssyncadd.s32 $0xFFFFFC00  }
0x18d: {  	_ =	swait.ge [sflag:s2], $0x400  }
0x18e: {  	s3 =	rddreg [dreg:$0x11]  }
0x18f: {  	s31 =	rddreg [dreg:$0x10];
	s3 =	sadd.s32 $0x1, s3  }
0x190: {  	p0 =	sne.s32 s3, s31  }
.Ltmp5:
0x191: {  	_ = 	snop;
	(pc) =	sbr.rel @p0 .LBB2_1-.Ltmp5, $3  }
0x192: {  	_ =	sdelay $0x1  }
0x193: {  	[sflag:s2] =	ssyncset.done $0x0  }
0x194: {  	[sflag:s2] =	ssyncadd.s32 $0xFFFFFC00  }
0x195: {  	_ =	sfence.sel $0x180000  }
0x196: {  	[bflag:$0x0] =	sbarrier.arrive $0xFFFF  }
0x197: {  	_ =	strace $0x90000047  }
0x198: {  	s0 =	stileid.u32;
	[bflag:$0x2] =	sbarrier.arrive $0xFFFF  }
0x199: {  	p0 =	sne.s32 s0, $0x0;
	s0 =	rddreg [dreg:$0x4]  }
0x19a: {  	s0 =	sadd.s32 @!p0 $0x100000, s0  }
0x19b: {  	[sflag:s0] =	ssyncadd.tile.s32 @!p0 $0x1;
	_ =	shalt  }
.Lfunc_end2:
_tile_overlayer_lowered:
.L_overlay_start_2:
0x19c: {  	(tag) =	ssettag $0x2  }
0x19d: {  	s0 =	rddreg [dreg:$0x0];
	s2 =	stileid.u32  }
0x19e: {  	s1 =	rddreg [dreg:$0x1];
	p0 =	sne.s32 s2, $0x0  }
0x19f: {  	s3 =	rddreg [dreg:$0x2];
	[bflag:$0x3] =	sbarrier.arrive $0xFFFF;
	s2 =	simm.s32 @!p0 $0x1C05  }
0x1a0: {  	[timem:s3], [sflag:s2] =	dma.local @!p0 [hbm:s0], s1  }
0x1a1: {  	s0 =	simm.s32 @!p0 $0x5  }
0x1a2: {  	_ =	swait.ge @!p0 [sflag:s0], s1  }
0x1a3: {  	s1 =	ssub.s32 @!p0 $0x0, s1;
	[sflag:s0] =	ssyncset.done @!p0 $0x0  }
0x1a4: {  	[sflag:s0] =	ssyncadd.s32 @!p0 s1  }
0x1a5: {  	[bflag:$0x3] =	sbarrier.arrive $0xFFFF  }
0x1a6: {  	_ =	shalt  }

</sc_bundles>
